<compile_context>
chip_gen: v7x
topology: tpu7x:2x2x1
jax: 0.10.2.dev20260603
libtpu: 0.0.44.dev20260713+nightly
codegen_flags: <defaults>
</compile_context>

<pallas_src>
import functools
import math

import jax
import jax.numpy as jnp
from jax import lax
from jax.experimental import pallas as pl
from jax.experimental.pallas import tpu as pltpu
from jax.experimental.pallas import tpu_sc as plsc

N = 10000
D = 128
TOPK = 20
R = 400
NSTEP = N // R
CC = 1024
NCHUNK = 10
KPAD = CC * NCHUNK
SLOTS = 4
OUTW = 32
IMIN = jnp.iinfo(jnp.int32).min
LANE = 128

ROWS_PER_TILE = 320
NPAD = 32 * ROWS_PER_TILE


def _tc_body(h_ref, wq_ref, wk_ref, w_out, i_out, kscr, qscr, res):
    i = pl.program_id(0)
    c = pl.program_id(1)

    @pl.when(jnp.logical_and(i == 0, c == 0))
    def _():
        k_f32 = lax.dot_general(
            h_ref[...].astype(jnp.bfloat16),
            wk_ref[...].astype(jnp.bfloat16), (((1,), (1,)), ((), ())),
            preferred_element_type=jnp.float32)
        kscr[0:N, :] = k_f32.astype(jnp.bfloat16)
        kscr[N:KPAD, :] = jnp.zeros((KPAD - N, D), jnp.bfloat16)

    @pl.when(c == 0)
    def _():
        hb = h_ref[pl.ds(i * R, R), :].astype(jnp.bfloat16)
        q = lax.dot_general(hb, wq_ref[...].astype(jnp.bfloat16),
                            (((1,), (1,)), ((), ())),
                            preferred_element_type=jnp.float32)
        qscr[...] = q.astype(jnp.bfloat16)
        res[...] = jnp.full((SLOTS, R, LANE), IMIN, jnp.int32)

    kc = kscr[pl.ds(c * CC, CC), :]
    lc = lax.dot_general(qscr[...], kc, (((1,), (1,)), ((), ())),
                         preferred_element_type=jnp.float32)

    lane2d = lax.broadcasted_iota(jnp.int32, (R, LANE), 1)
    row2d = i * R + lax.broadcasted_iota(jnp.int32, (R, LANE), 0)

    def fold(masked):
        def mk_key(v):
            sub = lc[:, v * LANE:(v + 1) * LANE]
            kk = c * (CC // LANE) + v
            bits = lax.bitcast_convert_type(sub, jnp.int32) + jnp.int32(64)
            key = jnp.bitwise_or(jnp.bitwise_and(bits, jnp.int32(~127)),
                                 jnp.int32(kk))
            if masked:
                colg = kk * LANE + lane2d
                valid = jnp.logical_and(colg < N, colg != row2d)
                key = jnp.where(valid, key, IMIN)
            return key

        def ce(arr, x, y):
            hi = jnp.maximum(arr[x], arr[y])
            arr[y] = jnp.minimum(arr[x], arr[y])
            arr[x] = hi

        for g in range(CC // LANE // 4):
            k4 = [mk_key(4 * g + j) for j in range(4)]
            for x, y in ((0, 1), (2, 3), (0, 2), (1, 3), (1, 2)):
                ce(k4, x, y)
            t4 = [jnp.maximum(res[t], k4[3 - t]) for t in range(4)]
            for x, y in ((0, 2), (1, 3), (0, 1), (2, 3)):
                ce(t4, x, y)
            for t in range(4):
                res[t] = t4[t]

    diag_lo = (i * R) // CC
    diag_hi = (i * R + R - 1) // CC
    special = jnp.logical_or(jnp.logical_or(c == diag_lo, c == diag_hi),
                             c == NCHUNK - 1)

    @pl.when(special)
    def _():
        fold(True)

    @pl.when(jnp.logical_not(special))
    def _():
        fold(False)

    @pl.when(c == NCHUNK - 1)
    def _():
        cols = []
        vals = []
        r0, r1, r2, r3 = res[0], res[1], res[2], res[3]
        for _ in range(TOPK):
            rm = jnp.max(r0, axis=1, keepdims=True)
            rmb = jnp.broadcast_to(rm, (R, LANE))
            eq = r0 == rmb
            lane = jnp.min(jnp.where(eq, lane2d, LANE), axis=1,
                           keepdims=True)
            r0 = jnp.where(eq, r1, r0)
            r1 = jnp.where(eq, r2, r1)
            r2 = jnp.where(eq, r3, r2)
            r3 = jnp.where(eq, IMIN, r3)
            kkr = jnp.bitwise_and(rm, jnp.int32(127))
            cols.append(kkr * LANE + lane)
            vals.append(lax.bitcast_convert_type(
                jnp.bitwise_and(rm, jnp.int32(~127)), jnp.float32))
        vv = jnp.concatenate(vals, axis=1)
        vv = vv / jnp.sqrt(jnp.float32(D))
        ee = jnp.exp(vv - vv[:, 0:1])
        ww = ee / jnp.sum(ee, axis=1, keepdims=True)
        idx = jnp.concatenate(cols, axis=1)
        rowg = i * R + lax.broadcasted_iota(jnp.int32, (R, OUTW - TOPK), 0)
        w_out[...] = jnp.concatenate(
            [ww, jnp.zeros((R, OUTW - TOPK), jnp.float32)], axis=1)
        i_out[...] = jnp.concatenate([idx, rowg], axis=1)


def _tc_select(h, W_q, W_k, interpret=False):
    return pl.pallas_call(
        _tc_body,
        grid=(NSTEP, NCHUNK),
        in_specs=[
            pl.BlockSpec((N, D), lambda i, c: (0, 0)),
            pl.BlockSpec((D, D), lambda i, c: (0, 0)),
            pl.BlockSpec((D, D), lambda i, c: (0, 0)),
        ],
        out_specs=[
            pl.BlockSpec((R, OUTW), lambda i, c: (i, 0)),
            pl.BlockSpec((R, OUTW), lambda i, c: (i, 0)),
        ],
        out_shape=[
            jax.ShapeDtypeStruct((N, OUTW), jnp.float32),
            jax.ShapeDtypeStruct((N, OUTW), jnp.int32),
        ],
        scratch_shapes=[
            pltpu.VMEM((KPAD, D), jnp.bfloat16),
            pltpu.VMEM((R, D), jnp.bfloat16),
            pltpu.VMEM((SLOTS, R, LANE), jnp.int32),
        ],
        compiler_params=pltpu.CompilerParams(
            dimension_semantics=("arbitrary", "arbitrary")),
        interpret=interpret,
    )(h, W_q, W_k)


def _sc_scatter_body(w_hbm, i_hbm, out_hbm, wbuf, ibuf, rowbuf):
    cid = lax.axis_index("c")
    sid = lax.axis_index("s")
    wid = sid * 2 + cid
    base = wid * ROWS_PER_TILE

    pltpu.sync_copy(w_hbm.at[pl.ds(base, ROWS_PER_TILE)], wbuf)
    pltpu.sync_copy(i_hbm.at[pl.ds(base, ROWS_PER_TILE)], ibuf)

    def zbody(t, carry):
        rowbuf[pl.ds(t * 16, 16)] = jnp.zeros((16,), jnp.float32)
        return carry
    lax.fori_loop(0, N // 16, zbody, 0)

    def body(j, carry):
        row = base + j

        @pl.when(row < N)
        def _():
            for s in range(OUTW // 16):
                iv = ibuf[j, pl.ds(s * 16, 16)]
                wv = wbuf[j, pl.ds(s * 16, 16)]
                plsc.store_scatter(rowbuf, [iv], wv)
            pltpu.sync_copy(rowbuf, out_hbm.at[row])
            for s in range(OUTW // 16):
                iv = ibuf[j, pl.ds(s * 16, 16)]
                plsc.store_scatter(rowbuf, [iv], jnp.zeros((16,), jnp.float32))
        return carry
    lax.fori_loop(0, ROWS_PER_TILE, body, 0)


@functools.cache
def _sc_scatter():
    return pl.kernel(
        _sc_scatter_body,
        out_type=jax.ShapeDtypeStruct((N, N), jnp.float32),
        mesh=plsc.VectorSubcoreMesh(core_axis_name="c", subcore_axis_name="s"),
        compiler_params=pltpu.CompilerParams(needs_layout_passes=False),
        scratch_types=[
            pltpu.VMEM((ROWS_PER_TILE, OUTW), jnp.float32),
            pltpu.VMEM((ROWS_PER_TILE, OUTW), jnp.int32),
            pltpu.VMEM((N,), jnp.float32),
        ],
    )


def kernel(h, W_q, W_k):
    w, idx = _tc_select(h, W_q, W_k)
    w_p = jnp.pad(w, ((0, NPAD - N), (0, 0)))
    i_p = jnp.pad(idx, ((0, NPAD - N), (0, 0)))
    return _sc_scatter()(w_p, i_p)

# --- scband reference (transcript-rebuilt; emitter-appended) ---
"""Pipeline reference for scband-latent-graph-learner-4243427688883 (READ-ONLY COPY).

The authoritative reference and input builder live on the scoring server;
editing this copy changes nothing except your own understanding.
"""

import math
import jax, jax.numpy as jnp
import numpy as np

N = 10000
D = 128
TOPK = 20

def setup_inputs(seed: int = 0) -> dict:
    key = jax.random.key(seed)
    k1, k2, k3 = jax.random.split(key, 3)
    h = jax.random.normal(k1, (N, D), dtype=jnp.float32)
    W_q = jax.random.normal(k2, (D, D), dtype=jnp.float32) / math.sqrt(D)
    W_k = jax.random.normal(k3, (D, D), dtype=jnp.float32) / math.sqrt(D)
    return {"h": h, "W_q": W_q, "W_k": W_k}

def reference(h, W_q, W_k):
    d_model = h.shape[1]
    # nn.Linear(bias=False): y = x @ W.T
    Q = h @ W_q.T
    K = h @ W_k.T
    logits = (Q @ K.T) / jnp.sqrt(jnp.float32(d_model))
    n = logits.shape[0]
    eye = jnp.eye(n, dtype=bool)
    logits = jnp.where(eye, -jnp.inf, logits)
    k = min(TOPK, n - 1)
    _, idx = jax.lax.top_k(logits, k)
    mask = jnp.zeros((n, n), dtype=bool).at[jnp.arange(n)[:, None], idx].set(True)
    masked_logits = jnp.where(mask, logits, -jnp.inf)
    attn = jax.nn.softmax(masked_logits, axis=-1)
    attn = jnp.nan_to_num(attn, nan=0.0)
    # Relation(name='latent', adj=attn, edge_feat=attn.unsqueeze(-1)) -> return adj (edge_feat is attn[..., None])
    return attn

if __name__ == "__main__":
    import jax
    _d = setup_inputs()
    print(jax.jit(kernel)(*tuple(_d.values())))

</pallas_src>

<mosaic_0001>
#map = affine_map<(d0, d1) -> (0, 0)>
module attributes {stable_mosaic.version = 14 : i64} {
  func.func @_sc_scatter_body(%arg0: i32, %arg1: i32, %arg2: memref<10240x32xf32, #tpu.memory_space<hbm>>, %arg3: memref<10240x32xi32, #tpu.memory_space<hbm>>, %arg4: memref<10000x10000xf32, #tpu.memory_space<hbm>>, %arg5: memref<320x32xf32, #tpu.memory_space<vmem>>, %arg6: memref<320x32xi32, #tpu.memory_space<vmem>>, %arg7: memref<10000xf32, #tpu.memory_space<vmem>>) attributes {dimension_semantics = [#tpu.dimension_semantics<core_parallel>, #tpu.dimension_semantics<subcore_parallel>], iteration_bounds = array<i64: 2, 16>, scalar_prefetch = 0 : i64, scratch_operands = 3 : i64, tpu.core_type = #tpu.core_type<sc_vector_subcore>, window_params = [{transform_indices = #map}, {transform_indices = #map}, {transform_indices = #map}]} {
    %mul3A = arith.constant 2 : i32
    %mul3A_0 = arith.muli %arg1, %mul3A : i32
    %add3A = arith.addi %mul3A_0, %arg0 : i32
    %mul3A_1 = arith.constant 320 : i32
    %mul3A_2 = arith.muli %add3A, %mul3A_1 : i32
    "tpu.region"() ({
      %run_scoped3A = tpu.sem_alloc : memref<!tpu.dma_semaphore, #tpu.memory_space<semaphore_mem>>
      %dma_start3A = arith.constant 0 : i32
      %dma_start3A_14 = tpu.memref_slice %arg2[%mul3A_2, %dma_start3A] : memref<10240x32xf32, #tpu.memory_space<hbm>> -> memref<320x32xf32, #tpu.memory_space<hbm>>
      %dma_start3A_15 = arith.constant 0 : i32
      %dma_start3A_16 = tpu.memref_slice %arg2[%mul3A_2, %dma_start3A_15] : memref<10240x32xf32, #tpu.memory_space<hbm>> -> memref<320x32xf32, #tpu.memory_space<hbm>>
      tpu.enqueue_dma source(%dma_start3A_16 : memref<320x32xf32, #tpu.memory_space<hbm>>) target(%arg5 : memref<320x32xf32, #tpu.memory_space<vmem>>) target_semaphore(%run_scoped3A : memref<!tpu.dma_semaphore, #tpu.memory_space<semaphore_mem>>)
      %dma_wait3A = arith.constant 0 : i32
      %dma_wait3A_17 = tpu.memref_slice %arg2[%mul3A_2, %dma_wait3A] : memref<10240x32xf32, #tpu.memory_space<hbm>> -> memref<320x32xf32, #tpu.memory_space<hbm>>
      %dma_wait3A_18 = arith.constant 0 : i32
      %dma_wait3A_19 = tpu.memref_slice %arg2[%mul3A_2, %dma_wait3A_18] : memref<10240x32xf32, #tpu.memory_space<hbm>> -> memref<320x32xf32, #tpu.memory_space<hbm>>
      tpu.wait_dma2 semaphore(%run_scoped3A : memref<!tpu.dma_semaphore, #tpu.memory_space<semaphore_mem>>) src(%dma_wait3A_19 : memref<320x32xf32, #tpu.memory_space<hbm>>) dst(%arg5 : memref<320x32xf32, #tpu.memory_space<vmem>>)
      tpu.yield
    }) : () -> ()
    "tpu.region"() ({
      %run_scoped3A = tpu.sem_alloc : memref<!tpu.dma_semaphore, #tpu.memory_space<semaphore_mem>>
      %dma_start3A = arith.constant 0 : i32
      %dma_start3A_14 = tpu.memref_slice %arg3[%mul3A_2, %dma_start3A] : memref<10240x32xi32, #tpu.memory_space<hbm>> -> memref<320x32xi32, #tpu.memory_space<hbm>>
      %dma_start3A_15 = arith.constant 0 : i32
      %dma_start3A_16 = tpu.memref_slice %arg3[%mul3A_2, %dma_start3A_15] : memref<10240x32xi32, #tpu.memory_space<hbm>> -> memref<320x32xi32, #tpu.memory_space<hbm>>
      tpu.enqueue_dma source(%dma_start3A_16 : memref<320x32xi32, #tpu.memory_space<hbm>>) target(%arg6 : memref<320x32xi32, #tpu.memory_space<vmem>>) target_semaphore(%run_scoped3A : memref<!tpu.dma_semaphore, #tpu.memory_space<semaphore_mem>>)
      %dma_wait3A = arith.constant 0 : i32
      %dma_wait3A_17 = tpu.memref_slice %arg3[%mul3A_2, %dma_wait3A] : memref<10240x32xi32, #tpu.memory_space<hbm>> -> memref<320x32xi32, #tpu.memory_space<hbm>>
      %dma_wait3A_18 = arith.constant 0 : i32
      %dma_wait3A_19 = tpu.memref_slice %arg3[%mul3A_2, %dma_wait3A_18] : memref<10240x32xi32, #tpu.memory_space<hbm>> -> memref<320x32xi32, #tpu.memory_space<hbm>>
      tpu.wait_dma2 semaphore(%run_scoped3A : memref<!tpu.dma_semaphore, #tpu.memory_space<semaphore_mem>>) src(%dma_wait3A_19 : memref<320x32xi32, #tpu.memory_space<hbm>>) dst(%arg6 : memref<320x32xi32, #tpu.memory_space<vmem>>)
      tpu.yield
    }) : () -> ()
    %scan3A = arith.constant 0 : i32
    %scan3A_3 = arith.constant 0 : i32
    %scan3A_4 = arith.constant 625 : i32
    %scan3A_5 = arith.addi %scan3A_3, %scan3A_4 : i32
    %scan3A_6 = arith.constant 1 : i32
    scf.for %scan3A_14 = %scan3A_3 to %scan3A_5 step %scan3A_6  : i32 {
      %broadcast_in_dim3A = arith.constant 0.000000e+00 : f32
      %broadcast_in_dim3A_15 = vector.broadcast %broadcast_in_dim3A : f32 to vector<16xf32>
      %mul3A_16 = arith.constant 16 : i32
      %mul3A_17 = arith.muli %scan3A_14, %mul3A_16 : i32
      %swap3A = arith.index_cast %mul3A_17 : i32 to index
      %swap3A_18 = tpu.vector_load %arg7[%swap3A] {strides = array<i32>} : memref<10000xf32, #tpu.memory_space<vmem>>, vector<16xf32>,
      tpu.vector_store %arg7[%swap3A], %broadcast_in_dim3A_15 {strides = array<i32>} : memref<10000xf32, #tpu.memory_space<vmem>>, vector<16xf32>,
    }
    %scan3A_7 = arith.constant 625 : i32
    %scan3A_8 = arith.constant 0 : i32
    %scan3A_9 = arith.constant 0 : i32
    %scan3A_10 = arith.constant 320 : i32
    %scan3A_11 = arith.addi %scan3A_9, %scan3A_10 : i32
    %scan3A_12 = arith.constant 1 : i32
    scf.for %scan3A_14 = %scan3A_9 to %scan3A_11 step %scan3A_12  : i32 {
      %add3A_15 = arith.addi %mul3A_2, %scan3A_14 : i32
      %lt3A = arith.constant 10000 : i32
      %lt3A_16 = arith.cmpi slt, %add3A_15, %lt3A : i32
      %convert_element_type3A = arith.extui %lt3A_16 : i1 to i32
      %cond3A = arith.constant 0 : i32
      %cond3A_17 = arith.cmpi ne, %convert_element_type3A, %cond3A : i32
      scf.if %cond3A_17 {
        %get3A = arith.index_cast %scan3A_14 : i32 to index
        %get3A_18 = arith.constant 0 : index
        %get3A_19 = tpu.vector_load %arg6[%get3A, %get3A_18] {strides = array<i32>} : memref<320x32xi32, #tpu.memory_space<vmem>>, vector<16xi32>,
        %get3A_20 = arith.index_cast %scan3A_14 : i32 to index
        %get3A_21 = arith.constant 0 : index
        %get3A_22 = tpu.vector_load %arg5[%get3A_20, %get3A_21] {strides = array<i32>} : memref<320x32xf32, #tpu.memory_space<vmem>>, vector<16xf32>,
        tpu.vector_store_idx %arg7[%get3A_19], %get3A_22 : memref<10000xf32, #tpu.memory_space<vmem>>[vector<16xi32>], vector<16xf32>,
        %get3A_23 = arith.index_cast %scan3A_14 : i32 to index
        %get3A_24 = arith.constant 16 : index
        %get3A_25 = tpu.vector_load %arg6[%get3A_23, %get3A_24] {strides = array<i32>} : memref<320x32xi32, #tpu.memory_space<vmem>>, vector<16xi32>,
        %get3A_26 = arith.index_cast %scan3A_14 : i32 to index
        %get3A_27 = arith.constant 16 : index
        %get3A_28 = tpu.vector_load %arg5[%get3A_26, %get3A_27] {strides = array<i32>} : memref<320x32xf32, #tpu.memory_space<vmem>>, vector<16xf32>,
        tpu.vector_store_idx %arg7[%get3A_25], %get3A_28 : memref<10000xf32, #tpu.memory_space<vmem>>[vector<16xi32>], vector<16xf32>,
        "tpu.region"() ({
          %run_scoped3A = tpu.sem_alloc : memref<!tpu.dma_semaphore, #tpu.memory_space<semaphore_mem>>
          %dma_start3A = arith.constant 0 : i32
          %dma_start3A_38 = tpu.memref_slice %arg4[%add3A_15, %dma_start3A] : memref<10000x10000xf32, #tpu.memory_space<hbm>> -> memref<1x10000xf32, #tpu.memory_space<hbm>>
          %dma_start3A_39 = tpu.memref_squeeze %dma_start3A_38 : memref<1x10000xf32, #tpu.memory_space<hbm>> -> memref<10000xf32, #tpu.memory_space<hbm>>
          %dma_start3A_40 = arith.constant 0 : i32
          %dma_start3A_41 = tpu.memref_slice %arg4[%add3A_15, %dma_start3A_40] : memref<10000x10000xf32, #tpu.memory_space<hbm>> -> memref<1x10000xf32, #tpu.memory_space<hbm>>
          %dma_start3A_42 = tpu.memref_squeeze %dma_start3A_41 : memref<1x10000xf32, #tpu.memory_space<hbm>> -> memref<10000xf32, #tpu.memory_space<hbm>>
          tpu.enqueue_dma source(%arg7 : memref<10000xf32, #tpu.memory_space<vmem>>) target(%dma_start3A_42 : memref<10000xf32, #tpu.memory_space<hbm>>) target_semaphore(%run_scoped3A : memref<!tpu.dma_semaphore, #tpu.memory_space<semaphore_mem>>)
          %dma_wait3A = arith.constant 0 : i32
          %dma_wait3A_43 = tpu.memref_slice %arg4[%add3A_15, %dma_wait3A] : memref<10000x10000xf32, #tpu.memory_space<hbm>> -> memref<1x10000xf32, #tpu.memory_space<hbm>>
          %dma_wait3A_44 = tpu.memref_squeeze %dma_wait3A_43 : memref<1x10000xf32, #tpu.memory_space<hbm>> -> memref<10000xf32, #tpu.memory_space<hbm>>
          %dma_wait3A_45 = arith.constant 0 : i32
          %dma_wait3A_46 = tpu.memref_slice %arg4[%add3A_15, %dma_wait3A_45] : memref<10000x10000xf32, #tpu.memory_space<hbm>> -> memref<1x10000xf32, #tpu.memory_space<hbm>>
          %dma_wait3A_47 = tpu.memref_squeeze %dma_wait3A_46 : memref<1x10000xf32, #tpu.memory_space<hbm>> -> memref<10000xf32, #tpu.memory_space<hbm>>
          tpu.wait_dma2 semaphore(%run_scoped3A : memref<!tpu.dma_semaphore, #tpu.memory_space<semaphore_mem>>) src(%arg7 : memref<10000xf32, #tpu.memory_space<vmem>>) dst(%dma_wait3A_47 : memref<10000xf32, #tpu.memory_space<hbm>>)
          tpu.yield
        }) : () -> ()
        %get3A_29 = arith.index_cast %scan3A_14 : i32 to index
        %get3A_30 = arith.constant 0 : index
        %get3A_31 = tpu.vector_load %arg6[%get3A_29, %get3A_30] {strides = array<i32>} : memref<320x32xi32, #tpu.memory_space<vmem>>, vector<16xi32>,
        %broadcast_in_dim3A = arith.constant 0.000000e+00 : f32
        %broadcast_in_dim3A_32 = vector.broadcast %broadcast_in_dim3A : f32 to vector<16xf32>
        tpu.vector_store_idx %arg7[%get3A_31], %broadcast_in_dim3A_32 : memref<10000xf32, #tpu.memory_space<vmem>>[vector<16xi32>], vector<16xf32>,
        %get3A_33 = arith.index_cast %scan3A_14 : i32 to index
        %get3A_34 = arith.constant 16 : index
        %get3A_35 = tpu.vector_load %arg6[%get3A_33, %get3A_34] {strides = array<i32>} : memref<320x32xi32, #tpu.memory_space<vmem>>, vector<16xi32>,
        %broadcast_in_dim3A_36 = arith.constant 0.000000e+00 : f32
        %broadcast_in_dim3A_37 = vector.broadcast %broadcast_in_dim3A_36 : f32 to vector<16xf32>
        tpu.vector_store_idx %arg7[%get3A_35], %broadcast_in_dim3A_37 : memref<10000xf32, #tpu.memory_space<vmem>>[vector<16xi32>], vector<16xf32>,
      } else {
      }
    }
    %scan3A_13 = arith.constant 320 : i32
    return
  }
}

module attributes {stable_mosaic.version = 14 : i64} {
  func.func @_tc_body(%arg0: i32, %arg1: i32, %arg2: memref<10000x128xf32, #tpu.memory_space<vmem>>, %arg3: memref<128x128xf32, #tpu.memory_space<vmem>>, %arg4: memref<128x128xf32, #tpu.memory_space<vmem>>, %arg5: memref<400x32xf32, #tpu.memory_space<vmem>>, %arg6: memref<400x32xi32, #tpu.memory_space<vmem>>, %arg7: memref<10240x128xbf16, #tpu.memory_space<vmem>>, %arg8: memref<400x128xbf16, #tpu.memory_space<vmem>>, %arg9: memref<4x400x128xi32, #tpu.memory_space<vmem>>) attributes {dimension_semantics = [#tpu.dimension_semantics<arbitrary>, #tpu.dimension_semantics<arbitrary>], iteration_bounds = array<i64: 25, 10>, scalar_prefetch = 0 : i64, scratch_operands = 3 : i64, tpu.core_type = #tpu.core_type<tc>, window_params = [{pipeline_mode = #tpu.pipeline_mode<synchronous>, transform_indices = @transform_0, window_bounds = array<i64: 10000, 128>}, {pipeline_mode = #tpu.pipeline_mode<synchronous>, transform_indices = @transform_1, window_bounds = array<i64: 128, 128>}, {pipeline_mode = #tpu.pipeline_mode<synchronous>, transform_indices = @transform_2, window_bounds = array<i64: 128, 128>}, {transform_indices = @transform_3, window_bounds = array<i64: 400, 32>}, {transform_indices = @transform_4, window_bounds = array<i64: 400, 32>}]} {
    %eq3A = arith.constant 0 : i32
    %eq3A_0 = arith.cmpi eq, %arg0, %eq3A : i32
    %eq3A_1 = arith.constant 0 : i32
    %eq3A_2 = arith.cmpi eq, %arg1, %eq3A_1 : i32
    %and3A = arith.andi %eq3A_0, %eq3A_2 : i1
    %convert_element_type3A = arith.extui %and3A : i1 to i32
    %cond3A = arith.constant 0 : i32
    %cond3A_3 = arith.cmpi ne, %convert_element_type3A, %cond3A : i32
    scf.if %cond3A_3 {
      %get3A_86 = arith.constant 0 : index
      %get3A_87 = arith.constant 0 : index
      %get3A_88 = vector.load %arg2[%get3A_86, %get3A_87] : memref<10000x128xf32, #tpu.memory_space<vmem>>, vector<10000x128xf32>
      %convert_element_type3A_89 = arith.truncf %get3A_88 : vector<10000x128xf32> to vector<10000x128xbf16>
      %get3A_90 = arith.constant 0 : index
      %get3A_91 = arith.constant 0 : index
      %get3A_92 = vector.load %arg4[%get3A_90, %get3A_91] : memref<128x128xf32, #tpu.memory_space<vmem>>, vector<128x128xf32>
      %convert_element_type3A_93 = arith.truncf %get3A_92 : vector<128x128xf32> to vector<128x128xbf16>
      %dot_general3A_94 = arith.constant dense<0.000000e+00> : vector<10000x128xf32>
      %dot_general3A_95 = tpu.matmul %convert_element_type3A_89, %convert_element_type3A_93, %dot_general3A_94 {dimension_numbers = #tpu.dot_dimension_numbers<[1], [1], [0], [0], [0, 0, 1, 0], [], []>, transpose_lhs_hint = false} : vector<10000x128xbf16>, vector<128x128xbf16>, vector<10000x128xf32> -> vector<10000x128xf32>
      %convert_element_type3A_96 = arith.truncf %dot_general3A_95 : vector<10000x128xf32> to vector<10000x128xbf16>
      %swap3A = arith.constant 0 : index
      %swap3A_97 = arith.constant 0 : index
      %swap3A_98 = vector.load %arg7[%swap3A, %swap3A_97] : memref<10240x128xbf16, #tpu.memory_space<vmem>>, vector<10000x128xbf16>
      tpu.vector_store %arg7[%swap3A, %swap3A_97], %convert_element_type3A_96 {strides = array<i32>} : memref<10240x128xbf16, #tpu.memory_space<vmem>>, vector<10000x128xbf16>,
      %broadcast_in_dim3A = arith.constant 0.000000e+00 : bf16
      %broadcast_in_dim3A_99 = vector.broadcast %broadcast_in_dim3A : bf16 to vector<240x128xbf16>
      %swap3A_100 = arith.constant 10000 : index
      %swap3A_101 = arith.constant 0 : index
      %swap3A_102 = vector.load %arg7[%swap3A_100, %swap3A_101] : memref<10240x128xbf16, #tpu.memory_space<vmem>>, vector<240x128xbf16>
      tpu.vector_store %arg7[%swap3A_100, %swap3A_101], %broadcast_in_dim3A_99 {strides = array<i32>} : memref<10240x128xbf16, #tpu.memory_space<vmem>>, vector<240x128xbf16>,
    } else {
    }
    %eq3A_4 = arith.constant 0 : i32
    %eq3A_5 = arith.cmpi eq, %arg1, %eq3A_4 : i32
    %convert_element_type3A_6 = arith.extui %eq3A_5 : i1 to i32
    %cond3A_7 = arith.constant 0 : i32
    %cond3A_8 = arith.cmpi ne, %convert_element_type3A_6, %cond3A_7 : i32
    scf.if %cond3A_8 {
      %mul3A_86 = arith.constant 400 : i32
      %mul3A_87 = arith.muli %arg0, %mul3A_86 : i32
      %get3A_88 = arith.index_cast %mul3A_87 : i32 to index
      %get3A_89 = arith.constant 0 : index
      %get3A_90 = vector.load %arg2[%get3A_88, %get3A_89] : memref<10000x128xf32, #tpu.memory_space<vmem>>, vector<400x128xf32>
      %convert_element_type3A_91 = arith.truncf %get3A_90 : vector<400x128xf32> to vector<400x128xbf16>
      %get3A_92 = arith.constant 0 : index
      %get3A_93 = arith.constant 0 : index
      %get3A_94 = vector.load %arg3[%get3A_92, %get3A_93] : memref<128x128xf32, #tpu.memory_space<vmem>>, vector<128x128xf32>
      %convert_element_type3A_95 = arith.truncf %get3A_94 : vector<128x128xf32> to vector<128x128xbf16>
      %dot_general3A_96 = arith.constant dense<0.000000e+00> : vector<400x128xf32>
      %dot_general3A_97 = tpu.matmul %convert_element_type3A_91, %convert_element_type3A_95, %dot_general3A_96 {dimension_numbers = #tpu.dot_dimension_numbers<[1], [1], [0], [0], [0, 0, 1, 0], [], []>, transpose_lhs_hint = false} : vector<400x128xbf16>, vector<128x128xbf16>, vector<400x128xf32> -> vector<400x128xf32>
      %convert_element_type3A_98 = arith.truncf %dot_general3A_97 : vector<400x128xf32> to vector<400x128xbf16>
      %swap3A = arith.constant 0 : index
      %swap3A_99 = arith.constant 0 : index
      %swap3A_100 = vector.load %arg8[%swap3A, %swap3A_99] : memref<400x128xbf16, #tpu.memory_space<vmem>>, vector<400x128xbf16>
      tpu.vector_store %arg8[%swap3A, %swap3A_99], %convert_element_type3A_98 {strides = array<i32>} : memref<400x128xbf16, #tpu.memory_space<vmem>>, vector<400x128xbf16>,
      %broadcast_in_dim3A = arith.constant -2147483648 : i32
      %broadcast_in_dim3A_101 = vector.broadcast %broadcast_in_dim3A : i32 to vector<4x400x128xi32>
      %swap3A_102 = arith.constant 0 : index
      %swap3A_103 = arith.constant 0 : index
      %swap3A_104 = arith.constant 0 : index
      %swap3A_105 = vector.load %arg9[%swap3A_102, %swap3A_103, %swap3A_104] : memref<4x400x128xi32, #tpu.memory_space<vmem>>, vector<4x400x128xi32>
      tpu.vector_store %arg9[%swap3A_102, %swap3A_103, %swap3A_104], %broadcast_in_dim3A_101 {strides = array<i32>} : memref<4x400x128xi32, #tpu.memory_space<vmem>>, vector<4x400x128xi32>,
    } else {
    }
    %mul3A = arith.constant 1024 : i32
    %mul3A_9 = arith.muli %arg1, %mul3A : i32
    %get3A = arith.index_cast %mul3A_9 : i32 to index
    %get3A_10 = arith.constant 0 : index
    %get3A_11 = vector.load %arg7[%get3A, %get3A_10] : memref<10240x128xbf16, #tpu.memory_space<vmem>>, vector<1024x128xbf16>
    %get3A_12 = arith.constant 0 : index
    %get3A_13 = arith.constant 0 : index
    %get3A_14 = vector.load %arg8[%get3A_12, %get3A_13] : memref<400x128xbf16, #tpu.memory_space<vmem>>, vector<400x128xbf16>
    %dot_general3A = arith.constant dense<0.000000e+00> : vector<400x1024xf32>
    %dot_general3A_15 = tpu.matmul %get3A_14, %get3A_11, %dot_general3A {dimension_numbers = #tpu.dot_dimension_numbers<[1], [1], [0], [0], [0, 0, 1, 0], [], []>, transpose_lhs_hint = false} : vector<400x128xbf16>, vector<1024x128xbf16>, vector<400x1024xf32> -> vector<400x1024xf32>
    %iota3A = tpu.iota {dimensions = array<i32: 1>} : vector<400x128xi32>
    %mul3A_16 = arith.constant 400 : i32
    %mul3A_17 = arith.muli %arg0, %mul3A_16 : i32
    %iota3A_18 = tpu.iota {dimensions = array<i32: 0>} : vector<400x128xi32>
    %add3A = vector.broadcast %mul3A_17 : i32 to vector<400x128xi32>
    %add3A_19 = arith.addi %add3A, %iota3A_18 : vector<400x128xi32>
    %mul3A_20 = arith.constant 400 : i32
    %mul3A_21 = arith.muli %arg0, %mul3A_20 : i32
    %jit3A = arith.constant 1024 : i32
    %div3A = arith.divsi %mul3A_21, %jit3A : i32
    %sign3A = arith.constant 0 : i32
    %sign3A_22 = arith.cmpi sgt, %mul3A_21, %sign3A : i32
    %sign3A_23 = arith.extui %sign3A_22 : i1 to i32
    %sign3A_24 = arith.constant 0 : i32
    %sign3A_25 = arith.cmpi slt, %mul3A_21, %sign3A_24 : i32
    %sign3A_26 = arith.extui %sign3A_25 : i1 to i32
    %sign3A_27 = arith.subi %sign3A_23, %sign3A_26 : i32
    %sign3A_28 = arith.constant 0 : i32
    %sign3A_29 = arith.cmpi sgt, %jit3A, %sign3A_28 : i32
    %sign3A_30 = arith.extui %sign3A_29 : i1 to i32
    %sign3A_31 = arith.constant 0 : i32
    %sign3A_32 = arith.cmpi slt, %jit3A, %sign3A_31 : i32
    %sign3A_33 = arith.extui %sign3A_32 : i1 to i32
    %sign3A_34 = arith.subi %sign3A_30, %sign3A_33 : i32
    %ne3A = arith.cmpi ne, %sign3A_27, %sign3A_34 : i32
    %rem3A = arith.remsi %mul3A_21, %jit3A : i32
    %ne3A_35 = arith.constant 0 : i32
    %ne3A_36 = arith.cmpi ne, %rem3A, %ne3A_35 : i32
    %and3A_37 = arith.andi %ne3A, %ne3A_36 : i1
    %sub3A = arith.constant 1 : i32
    %sub3A_38 = arith.subi %div3A, %sub3A : i32
    %select_n3A = arith.select %and3A_37, %sub3A_38, %div3A : i32
    %mul3A_39 = arith.constant 400 : i32
    %mul3A_40 = arith.muli %arg0, %mul3A_39 : i32
    %add3A_41 = arith.constant 400 : i32
    %add3A_42 = arith.addi %mul3A_40, %add3A_41 : i32
    %sub3A_43 = arith.constant 1 : i32
    %sub3A_44 = arith.subi %add3A_42, %sub3A_43 : i32
    %jit3A_45 = arith.constant 1024 : i32
    %div3A_46 = arith.divsi %sub3A_44, %jit3A_45 : i32
    %sign3A_47 = arith.constant 0 : i32
    %sign3A_48 = arith.cmpi sgt, %sub3A_44, %sign3A_47 : i32
    %sign3A_49 = arith.extui %sign3A_48 : i1 to i32
    %sign3A_50 = arith.constant 0 : i32
    %sign3A_51 = arith.cmpi slt, %sub3A_44, %sign3A_50 : i32
    %sign3A_52 = arith.extui %sign3A_51 : i1 to i32
    %sign3A_53 = arith.subi %sign3A_49, %sign3A_52 : i32
    %sign3A_54 = arith.constant 0 : i32
    %sign3A_55 = arith.cmpi sgt, %jit3A_45, %sign3A_54 : i32
    %sign3A_56 = arith.extui %sign3A_55 : i1 to i32
    %sign3A_57 = arith.constant 0 : i32
    %sign3A_58 = arith.cmpi slt, %jit3A_45, %sign3A_57 : i32
    %sign3A_59 = arith.extui %sign3A_58 : i1 to i32
    %sign3A_60 = arith.subi %sign3A_56, %sign3A_59 : i32
    %ne3A_61 = arith.cmpi ne, %sign3A_53, %sign3A_60 : i32
    %rem3A_62 = arith.remsi %sub3A_44, %jit3A_45 : i32
    %ne3A_63 = arith.constant 0 : i32
    %ne3A_64 = arith.cmpi ne, %rem3A_62, %ne3A_63 : i32
    %and3A_65 = arith.andi %ne3A_61, %ne3A_64 : i1
    %sub3A_66 = arith.constant 1 : i32
    %sub3A_67 = arith.subi %div3A_46, %sub3A_66 : i32
    %select_n3A_68 = arith.select %and3A_65, %sub3A_67, %div3A_46 : i32
    %eq3A_69 = arith.cmpi eq, %arg1, %select_n3A : i32
    %eq3A_70 = arith.cmpi eq, %arg1, %select_n3A_68 : i32
    %or3A = arith.ori %eq3A_69, %eq3A_70 : i1
    %eq3A_71 = arith.constant 9 : i32
    %eq3A_72 = arith.cmpi eq, %arg1, %eq3A_71 : i32
    %or3A_73 = arith.ori %or3A, %eq3A_72 : i1
    %convert_element_type3A_74 = arith.extui %or3A_73 : i1 to i32
    %cond3A_75 = arith.constant 0 : i32
    %cond3A_76 = arith.cmpi ne, %convert_element_type3A_74, %cond3A_75 : i32
    scf.if %cond3A_76 {
      %slice3A = vector.extract_strided_slice %dot_general3A_15 {offsets = [0, 0], sizes = [400, 128], strides = [1, 1]} : vector<400x1024xf32> to vector<400x128xf32>
      %mul3A_86 = arith.constant 8 : i32
      %mul3A_87 = arith.muli %arg1, %mul3A_86 : i32
      %add3A_88 = arith.constant 0 : i32
      %add3A_89 = arith.addi %mul3A_87, %add3A_88 : i32
      %bitcast_convert_type3A = tpu.bitcast %slice3A : vector<400x128xf32> -> vector<400x128xi32>
      %add3A_90 = arith.constant 64 : i32
      %add3A_91 = vector.broadcast %add3A_90 : i32 to vector<400x128xi32>
      %add3A_92 = arith.addi %bitcast_convert_type3A, %add3A_91 : vector<400x128xi32>
      %and3A_93 = arith.constant -128 : i32
      %and3A_94 = vector.broadcast %and3A_93 : i32 to vector<400x128xi32>
      %and3A_95 = arith.andi %add3A_92, %and3A_94 : vector<400x128xi32>
      %or3A_96 = vector.broadcast %add3A_89 : i32 to vector<400x128xi32>
      %or3A_97 = arith.ori %and3A_95, %or3A_96 : vector<400x128xi32>
      %mul3A_98 = arith.constant 128 : i32
      %mul3A_99 = arith.muli %add3A_89, %mul3A_98 : i32
      %add3A_100 = vector.broadcast %mul3A_99 : i32 to vector<400x128xi32>
      %add3A_101 = arith.addi %add3A_100, %iota3A : vector<400x128xi32>
      %lt3A = arith.constant 10000 : i32
      %lt3A_102 = vector.broadcast %lt3A : i32 to vector<400x128xi32>
      %lt3A_103 = arith.cmpi slt, %add3A_101, %lt3A_102 : vector<400x128xi32>
      %ne3A_104 = arith.cmpi ne, %add3A_101, %add3A_19 : vector<400x128xi32>
      %and3A_105 = arith.andi %lt3A_103, %ne3A_104 : vector<400x128xi1>
      %jit3A_106 = arith.constant -2147483648 : i32
      %broadcast_in_dim3A = vector.broadcast %jit3A_106 : i32 to vector<400x128xi32>
      %select_n3A_107 = arith.select %and3A_105, %or3A_97, %broadcast_in_dim3A : vector<400x128xi1>, vector<400x128xi32>
      %slice3A_108 = vector.extract_strided_slice %dot_general3A_15 {offsets = [0, 128], sizes = [400, 128], strides = [1, 1]} : vector<400x1024xf32> to vector<400x128xf32>
      %mul3A_109 = arith.constant 8 : i32
      %mul3A_110 = arith.muli %arg1, %mul3A_109 : i32
      %add3A_111 = arith.constant 1 : i32
      %add3A_112 = arith.addi %mul3A_110, %add3A_111 : i32
      %bitcast_convert_type3A_113 = tpu.bitcast %slice3A_108 : vector<400x128xf32> -> vector<400x128xi32>
      %add3A_114 = arith.constant 64 : i32
      %add3A_115 = vector.broadcast %add3A_114 : i32 to vector<400x128xi32>
      %add3A_116 = arith.addi %bitcast_convert_type3A_113, %add3A_115 : vector<400x128xi32>
      %and3A_117 = arith.constant -128 : i32
      %and3A_118 = vector.broadcast %and3A_117 : i32 to vector<400x128xi32>
      %and3A_119 = arith.andi %add3A_116, %and3A_118 : vector<400x128xi32>
      %or3A_120 = vector.broadcast %add3A_112 : i32 to vector<400x128xi32>
      %or3A_121 = arith.ori %and3A_119, %or3A_120 : vector<400x128xi32>
      %mul3A_122 = arith.constant 128 : i32
      %mul3A_123 = arith.muli %add3A_112, %mul3A_122 : i32
      %add3A_124 = vector.broadcast %mul3A_123 : i32 to vector<400x128xi32>
      %add3A_125 = arith.addi %add3A_124, %iota3A : vector<400x128xi32>
      %lt3A_126 = arith.constant 10000 : i32
      %lt3A_127 = vector.broadcast %lt3A_126 : i32 to vector<400x128xi32>
      %lt3A_128 = arith.cmpi slt, %add3A_125, %lt3A_127 : vector<400x128xi32>
      %ne3A_129 = arith.cmpi ne, %add3A_125, %add3A_19 : vector<400x128xi32>
      %and3A_130 = arith.andi %lt3A_128, %ne3A_129 : vector<400x128xi1>
      %jit3A_131 = arith.constant -2147483648 : i32
      %broadcast_in_dim3A_132 = vector.broadcast %jit3A_131 : i32 to vector<400x128xi32>
      %select_n3A_133 = arith.select %and3A_130, %or3A_121, %broadcast_in_dim3A_132 : vector<400x128xi1>, vector<400x128xi32>
      %slice3A_134 = vector.extract_strided_slice %dot_general3A_15 {offsets = [0, 256], sizes = [400, 128], strides = [1, 1]} : vector<400x1024xf32> to vector<400x128xf32>
      %mul3A_135 = arith.constant 8 : i32
      %mul3A_136 = arith.muli %arg1, %mul3A_135 : i32
      %add3A_137 = arith.constant 2 : i32
      %add3A_138 = arith.addi %mul3A_136, %add3A_137 : i32
      %bitcast_convert_type3A_139 = tpu.bitcast %slice3A_134 : vector<400x128xf32> -> vector<400x128xi32>
      %add3A_140 = arith.constant 64 : i32
      %add3A_141 = vector.broadcast %add3A_140 : i32 to vector<400x128xi32>
      %add3A_142 = arith.addi %bitcast_convert_type3A_139, %add3A_141 : vector<400x128xi32>
      %and3A_143 = arith.constant -128 : i32
      %and3A_144 = vector.broadcast %and3A_143 : i32 to vector<400x128xi32>
      %and3A_145 = arith.andi %add3A_142, %and3A_144 : vector<400x128xi32>
      %or3A_146 = vector.broadcast %add3A_138 : i32 to vector<400x128xi32>
      %or3A_147 = arith.ori %and3A_145, %or3A_146 : vector<400x128xi32>
      %mul3A_148 = arith.constant 128 : i32
      %mul3A_149 = arith.muli %add3A_138, %mul3A_148 : i32
      %add3A_150 = vector.broadcast %mul3A_149 : i32 to vector<400x128xi32>
      %add3A_151 = arith.addi %add3A_150, %iota3A : vector<400x128xi32>
      %lt3A_152 = arith.constant 10000 : i32
      %lt3A_153 = vector.broadcast %lt3A_152 : i32 to vector<400x128xi32>
      %lt3A_154 = arith.cmpi slt, %add3A_151, %lt3A_153 : vector<400x128xi32>
      %ne3A_155 = arith.cmpi ne, %add3A_151, %add3A_19 : vector<400x128xi32>
      %and3A_156 = arith.andi %lt3A_154, %ne3A_155 : vector<400x128xi1>
      %jit3A_157 = arith.constant -2147483648 : i32
      %broadcast_in_dim3A_158 = vector.broadcast %jit3A_157 : i32 to vector<400x128xi32>
      %select_n3A_159 = arith.select %and3A_156, %or3A_147, %broadcast_in_dim3A_158 : vector<400x128xi1>, vector<400x128xi32>
      %slice3A_160 = vector.extract_strided_slice %dot_general3A_15 {offsets = [0, 384], sizes = [400, 128], strides = [1, 1]} : vector<400x1024xf32> to vector<400x128xf32>
      %mul3A_161 = arith.constant 8 : i32
      %mul3A_162 = arith.muli %arg1, %mul3A_161 : i32
      %add3A_163 = arith.constant 3 : i32
      %add3A_164 = arith.addi %mul3A_162, %add3A_163 : i32
      %bitcast_convert_type3A_165 = tpu.bitcast %slice3A_160 : vector<400x128xf32> -> vector<400x128xi32>
      %add3A_166 = arith.constant 64 : i32
      %add3A_167 = vector.broadcast %add3A_166 : i32 to vector<400x128xi32>
      %add3A_168 = arith.addi %bitcast_convert_type3A_165, %add3A_167 : vector<400x128xi32>
      %and3A_169 = arith.constant -128 : i32
      %and3A_170 = vector.broadcast %and3A_169 : i32 to vector<400x128xi32>
      %and3A_171 = arith.andi %add3A_168, %and3A_170 : vector<400x128xi32>
      %or3A_172 = vector.broadcast %add3A_164 : i32 to vector<400x128xi32>
      %or3A_173 = arith.ori %and3A_171, %or3A_172 : vector<400x128xi32>
      %mul3A_174 = arith.constant 128 : i32
      %mul3A_175 = arith.muli %add3A_164, %mul3A_174 : i32
      %add3A_176 = vector.broadcast %mul3A_175 : i32 to vector<400x128xi32>
      %add3A_177 = arith.addi %add3A_176, %iota3A : vector<400x128xi32>
      %lt3A_178 = arith.constant 10000 : i32
      %lt3A_179 = vector.broadcast %lt3A_178 : i32 to vector<400x128xi32>
      %lt3A_180 = arith.cmpi slt, %add3A_177, %lt3A_179 : vector<400x128xi32>
      %ne3A_181 = arith.cmpi ne, %add3A_177, %add3A_19 : vector<400x128xi32>
      %and3A_182 = arith.andi %lt3A_180, %ne3A_181 : vector<400x128xi1>
      %jit3A_183 = arith.constant -2147483648 : i32
      %broadcast_in_dim3A_184 = vector.broadcast %jit3A_183 : i32 to vector<400x128xi32>
      %select_n3A_185 = arith.select %and3A_182, %or3A_173, %broadcast_in_dim3A_184 : vector<400x128xi1>, vector<400x128xi32>
      %max3A = arith.maxsi %select_n3A_107, %select_n3A_133 : vector<400x128xi32>
      %min3A = arith.minsi %select_n3A_107, %select_n3A_133 : vector<400x128xi32>
      %max3A_186 = arith.maxsi %select_n3A_159, %select_n3A_185 : vector<400x128xi32>
      %min3A_187 = arith.minsi %select_n3A_159, %select_n3A_185 : vector<400x128xi32>
      %max3A_188 = arith.maxsi %max3A, %max3A_186 : vector<400x128xi32>
      %min3A_189 = arith.minsi %max3A, %max3A_186 : vector<400x128xi32>
      %max3A_190 = arith.maxsi %min3A, %min3A_187 : vector<400x128xi32>
      %min3A_191 = arith.minsi %min3A, %min3A_187 : vector<400x128xi32>
      %max3A_192 = arith.maxsi %max3A_190, %min3A_189 : vector<400x128xi32>
      %min3A_193 = arith.minsi %max3A_190, %min3A_189 : vector<400x128xi32>
      %get3A_194 = arith.constant 0 : index
      %get3A_195 = arith.constant 0 : index
      %get3A_196 = arith.constant 0 : index
      %get3A_197 = vector.load %arg9[%get3A_194, %get3A_195, %get3A_196] : memref<4x400x128xi32, #tpu.memory_space<vmem>>, vector<1x400x128xi32>
      %get3A_198 = vector.shape_cast %get3A_197 : vector<1x400x128xi32> to vector<400x128xi32>
      %max3A_199 = arith.maxsi %get3A_198, %min3A_191 : vector<400x128xi32>
      %get3A_200 = arith.constant 1 : index
      %get3A_201 = arith.constant 0 : index
      %get3A_202 = arith.constant 0 : index
      %get3A_203 = vector.load %arg9[%get3A_200, %get3A_201, %get3A_202] : memref<4x400x128xi32, #tpu.memory_space<vmem>>, vector<1x400x128xi32>
      %get3A_204 = vector.shape_cast %get3A_203 : vector<1x400x128xi32> to vector<400x128xi32>
      %max3A_205 = arith.maxsi %get3A_204, %min3A_193 : vector<400x128xi32>
      %get3A_206 = arith.constant 2 : index
      %get3A_207 = arith.constant 0 : index
      %get3A_208 = arith.constant 0 : index
      %get3A_209 = vector.load %arg9[%get3A_206, %get3A_207, %get3A_208] : memref<4x400x128xi32, #tpu.memory_space<vmem>>, vector<1x400x128xi32>
      %get3A_210 = vector.shape_cast %get3A_209 : vector<1x400x128xi32> to vector<400x128xi32>
      %max3A_211 = arith.maxsi %get3A_210, %max3A_192 : vector<400x128xi32>
      %get3A_212 = arith.constant 3 : index
      %get3A_213 = arith.constant 0 : index
      %get3A_214 = arith.constant 0 : index
      %get3A_215 = vector.load %arg9[%get3A_212, %get3A_213, %get3A_214] : memref<4x400x128xi32, #tpu.memory_space<vmem>>, vector<1x400x128xi32>
      %get3A_216 = vector.shape_cast %get3A_215 : vector<1x400x128xi32> to vector<400x128xi32>
      %max3A_217 = arith.maxsi %get3A_216, %max3A_188 : vector<400x128xi32>
      %max3A_218 = arith.maxsi %max3A_199, %max3A_211 : vector<400x128xi32>
      %min3A_219 = arith.minsi %max3A_199, %max3A_211 : vector<400x128xi32>
      %max3A_220 = arith.maxsi %max3A_205, %max3A_217 : vector<400x128xi32>
      %min3A_221 = arith.minsi %max3A_205, %max3A_217 : vector<400x128xi32>
      %max3A_222 = arith.maxsi %max3A_218, %max3A_220 : vector<400x128xi32>
      %min3A_223 = arith.minsi %max3A_218, %max3A_220 : vector<400x128xi32>
      %max3A_224 = arith.maxsi %min3A_219, %min3A_221 : vector<400x128xi32>
      %min3A_225 = arith.minsi %min3A_219, %min3A_221 : vector<400x128xi32>
      %swap3A = arith.constant 0 : index
      %swap3A_226 = arith.constant 0 : index
      %swap3A_227 = arith.constant 0 : index
      %swap3A_228 = vector.load %arg9[%swap3A, %swap3A_226, %swap3A_227] : memref<4x400x128xi32, #tpu.memory_space<vmem>>, vector<1x400x128xi32>
      %swap3A_229 = vector.shape_cast %swap3A_228 : vector<1x400x128xi32> to vector<400x128xi32>
      %swap3A_230 = vector.shape_cast %max3A_222 : vector<400x128xi32> to vector<1x400x128xi32>
      tpu.vector_store %arg9[%swap3A, %swap3A_226, %swap3A_227], %swap3A_230 {strides = array<i32>} : memref<4x400x128xi32, #tpu.memory_space<vmem>>, vector<1x400x128xi32>,
      %swap3A_231 = arith.constant 1 : index
      %swap3A_232 = arith.constant 0 : index
      %swap3A_233 = arith.constant 0 : index
      %swap3A_234 = vector.load %arg9[%swap3A_231, %swap3A_232, %swap3A_233] : memref<4x400x128xi32, #tpu.memory_space<vmem>>, vector<1x400x128xi32>
      %swap3A_235 = vector.shape_cast %swap3A_234 : vector<1x400x128xi32> to vector<400x128xi32>
      %swap3A_236 = vector.shape_cast %min3A_223 : vector<400x128xi32> to vector<1x400x128xi32>
      tpu.vector_store %arg9[%swap3A_231, %swap3A_232, %swap3A_233], %swap3A_236 {strides = array<i32>} : memref<4x400x128xi32, #tpu.memory_space<vmem>>, vector<1x400x128xi32>,
      %swap3A_237 = arith.constant 2 : index
      %swap3A_238 = arith.constant 0 : index
      %swap3A_239 = arith.constant 0 : index
      %swap3A_240 = vector.load %arg9[%swap3A_237, %swap3A_238, %swap3A_239] : memref<4x400x128xi32, #tpu.memory_space<vmem>>, vector<1x400x128xi32>
      %swap3A_241 = vector.shape_cast %swap3A_240 : vector<1x400x128xi32> to vector<400x128xi32>
      %swap3A_242 = vector.shape_cast %max3A_224 : vector<400x128xi32> to vector<1x400x128xi32>
      tpu.vector_store %arg9[%swap3A_237, %swap3A_238, %swap3A_239], %swap3A_242 {strides = array<i32>} : memref<4x400x128xi32, #tpu.memory_space<vmem>>, vector<1x400x128xi32>,
      %swap3A_243 = arith.constant 3 : index
      %swap3A_244 = arith.constant 0 : index
      %swap3A_245 = arith.constant 0 : index
      %swap3A_246 = vector.load %arg9[%swap3A_243, %swap3A_244, %swap3A_245] : memref<4x400x128xi32, #tpu.memory_space<vmem>>, vector<1x400x128xi32>
      %swap3A_247 = vector.shape_cast %swap3A_246 : vector<1x400x128xi32> to vector<400x128xi32>
      %swap3A_248 = vector.shape_cast %min3A_225 : vector<400x128xi32> to vector<1x400x128xi32>
      tpu.vector_store %arg9[%swap3A_243, %swap3A_244, %swap3A_245], %swap3A_248 {strides = array<i32>} : memref<4x400x128xi32, #tpu.memory_space<vmem>>, vector<1x400x128xi32>,
      %slice3A_249 = vector.extract_strided_slice %dot_general3A_15 {offsets = [0, 512], sizes = [400, 128], strides = [1, 1]} : vector<400x1024xf32> to vector<400x128xf32>
      %mul3A_250 = arith.constant 8 : i32
      %mul3A_251 = arith.muli %arg1, %mul3A_250 : i32
      %add3A_252 = arith.constant 4 : i32
      %add3A_253 = arith.addi %mul3A_251, %add3A_252 : i32
      %bitcast_convert_type3A_254 = tpu.bitcast %slice3A_249 : vector<400x128xf32> -> vector<400x128xi32>
      %add3A_255 = arith.constant 64 : i32
      %add3A_256 = vector.broadcast %add3A_255 : i32 to vector<400x128xi32>
      %add3A_257 = arith.addi %bitcast_convert_type3A_254, %add3A_256 : vector<400x128xi32>
      %and3A_258 = arith.constant -128 : i32
      %and3A_259 = vector.broadcast %and3A_258 : i32 to vector<400x128xi32>
      %and3A_260 = arith.andi %add3A_257, %and3A_259 : vector<400x128xi32>
      %or3A_261 = vector.broadcast %add3A_253 : i32 to vector<400x128xi32>
      %or3A_262 = arith.ori %and3A_260, %or3A_261 : vector<400x128xi32>
      %mul3A_263 = arith.constant 128 : i32
      %mul3A_264 = arith.muli %add3A_253, %mul3A_263 : i32
      %add3A_265 = vector.broadcast %mul3A_264 : i32 to vector<400x128xi32>
      %add3A_266 = arith.addi %add3A_265, %iota3A : vector<400x128xi32>
      %lt3A_267 = arith.constant 10000 : i32
      %lt3A_268 = vector.broadcast %lt3A_267 : i32 to vector<400x128xi32>
      %lt3A_269 = arith.cmpi slt, %add3A_266, %lt3A_268 : vector<400x128xi32>
      %ne3A_270 = arith.cmpi ne, %add3A_266, %add3A_19 : vector<400x128xi32>
      %and3A_271 = arith.andi %lt3A_269, %ne3A_270 : vector<400x128xi1>
      %jit3A_272 = arith.constant -2147483648 : i32
      %broadcast_in_dim3A_273 = vector.broadcast %jit3A_272 : i32 to vector<400x128xi32>
      %select_n3A_274 = arith.select %and3A_271, %or3A_262, %broadcast_in_dim3A_273 : vector<400x128xi1>, vector<400x128xi32>
      %slice3A_275 = vector.extract_strided_slice %dot_general3A_15 {offsets = [0, 640], sizes = [400, 128], strides = [1, 1]} : vector<400x1024xf32> to vector<400x128xf32>
      %mul3A_276 = arith.constant 8 : i32
      %mul3A_277 = arith.muli %arg1, %mul3A_276 : i32
      %add3A_278 = arith.constant 5 : i32
      %add3A_279 = arith.addi %mul3A_277, %add3A_278 : i32
      %bitcast_convert_type3A_280 = tpu.bitcast %slice3A_275 : vector<400x128xf32> -> vector<400x128xi32>
      %add3A_281 = arith.constant 64 : i32
      %add3A_282 = vector.broadcast %add3A_281 : i32 to vector<400x128xi32>
      %add3A_283 = arith.addi %bitcast_convert_type3A_280, %add3A_282 : vector<400x128xi32>
      %and3A_284 = arith.constant -128 : i32
      %and3A_285 = vector.broadcast %and3A_284 : i32 to vector<400x128xi32>
      %and3A_286 = arith.andi %add3A_283, %and3A_285 : vector<400x128xi32>
      %or3A_287 = vector.broadcast %add3A_279 : i32 to vector<400x128xi32>
      %or3A_288 = arith.ori %and3A_286, %or3A_287 : vector<400x128xi32>
      %mul3A_289 = arith.constant 128 : i32
      %mul3A_290 = arith.muli %add3A_279, %mul3A_289 : i32
      %add3A_291 = vector.broadcast %mul3A_290 : i32 to vector<400x128xi32>
      %add3A_292 = arith.addi %add3A_291, %iota3A : vector<400x128xi32>
      %lt3A_293 = arith.constant 10000 : i32
      %lt3A_294 = vector.broadcast %lt3A_293 : i32 to vector<400x128xi32>
      %lt3A_295 = arith.cmpi slt, %add3A_292, %lt3A_294 : vector<400x128xi32>
      %ne3A_296 = arith.cmpi ne, %add3A_292, %add3A_19 : vector<400x128xi32>
      %and3A_297 = arith.andi %lt3A_295, %ne3A_296 : vector<400x128xi1>
      %jit3A_298 = arith.constant -2147483648 : i32
      %broadcast_in_dim3A_299 = vector.broadcast %jit3A_298 : i32 to vector<400x128xi32>
      %select_n3A_300 = arith.select %and3A_297, %or3A_288, %broadcast_in_dim3A_299 : vector<400x128xi1>, vector<400x128xi32>
      %slice3A_301 = vector.extract_strided_slice %dot_general3A_15 {offsets = [0, 768], sizes = [400, 128], strides = [1, 1]} : vector<400x1024xf32> to vector<400x128xf32>
      %mul3A_302 = arith.constant 8 : i32
      %mul3A_303 = arith.muli %arg1, %mul3A_302 : i32
      %add3A_304 = arith.constant 6 : i32
      %add3A_305 = arith.addi %mul3A_303, %add3A_304 : i32
      %bitcast_convert_type3A_306 = tpu.bitcast %slice3A_301 : vector<400x128xf32> -> vector<400x128xi32>
      %add3A_307 = arith.constant 64 : i32
      %add3A_308 = vector.broadcast %add3A_307 : i32 to vector<400x128xi32>
      %add3A_309 = arith.addi %bitcast_convert_type3A_306, %add3A_308 : vector<400x128xi32>
      %and3A_310 = arith.constant -128 : i32
      %and3A_311 = vector.broadcast %and3A_310 : i32 to vector<400x128xi32>
      %and3A_312 = arith.andi %add3A_309, %and3A_311 : vector<400x128xi32>
      %or3A_313 = vector.broadcast %add3A_305 : i32 to vector<400x128xi32>
      %or3A_314 = arith.ori %and3A_312, %or3A_313 : vector<400x128xi32>
      %mul3A_315 = arith.constant 128 : i32
      %mul3A_316 = arith.muli %add3A_305, %mul3A_315 : i32
      %add3A_317 = vector.broadcast %mul3A_316 : i32 to vector<400x128xi32>
      %add3A_318 = arith.addi %add3A_317, %iota3A : vector<400x128xi32>
      %lt3A_319 = arith.constant 10000 : i32
      %lt3A_320 = vector.broadcast %lt3A_319 : i32 to vector<400x128xi32>
      %lt3A_321 = arith.cmpi slt, %add3A_318, %lt3A_320 : vector<400x128xi32>
      %ne3A_322 = arith.cmpi ne, %add3A_318, %add3A_19 : vector<400x128xi32>
      %and3A_323 = arith.andi %lt3A_321, %ne3A_322 : vector<400x128xi1>
      %jit3A_324 = arith.constant -2147483648 : i32
      %broadcast_in_dim3A_325 = vector.broadcast %jit3A_324 : i32 to vector<400x128xi32>
      %select_n3A_326 = arith.select %and3A_323, %or3A_314, %broadcast_in_dim3A_325 : vector<400x128xi1>, vector<400x128xi32>
      %slice3A_327 = vector.extract_strided_slice %dot_general3A_15 {offsets = [0, 896], sizes = [400, 128], strides = [1, 1]} : vector<400x1024xf32> to vector<400x128xf32>
      %mul3A_328 = arith.constant 8 : i32
      %mul3A_329 = arith.muli %arg1, %mul3A_328 : i32
      %add3A_330 = arith.constant 7 : i32
      %add3A_331 = arith.addi %mul3A_329, %add3A_330 : i32
      %bitcast_convert_type3A_332 = tpu.bitcast %slice3A_327 : vector<400x128xf32> -> vector<400x128xi32>
      %add3A_333 = arith.constant 64 : i32
      %add3A_334 = vector.broadcast %add3A_333 : i32 to vector<400x128xi32>
      %add3A_335 = arith.addi %bitcast_convert_type3A_332, %add3A_334 : vector<400x128xi32>
      %and3A_336 = arith.constant -128 : i32
      %and3A_337 = vector.broadcast %and3A_336 : i32 to vector<400x128xi32>
      %and3A_338 = arith.andi %add3A_335, %and3A_337 : vector<400x128xi32>
      %or3A_339 = vector.broadcast %add3A_331 : i32 to vector<400x128xi32>
      %or3A_340 = arith.ori %and3A_338, %or3A_339 : vector<400x128xi32>
      %mul3A_341 = arith.constant 128 : i32
      %mul3A_342 = arith.muli %add3A_331, %mul3A_341 : i32
      %add3A_343 = vector.broadcast %mul3A_342 : i32 to vector<400x128xi32>
      %add3A_344 = arith.addi %add3A_343, %iota3A : vector<400x128xi32>
      %lt3A_345 = arith.constant 10000 : i32
      %lt3A_346 = vector.broadcast %lt3A_345 : i32 to vector<400x128xi32>
      %lt3A_347 = arith.cmpi slt, %add3A_344, %lt3A_346 : vector<400x128xi32>
      %ne3A_348 = arith.cmpi ne, %add3A_344, %add3A_19 : vector<400x128xi32>
      %and3A_349 = arith.andi %lt3A_347, %ne3A_348 : vector<400x128xi1>
      %jit3A_350 = arith.constant -2147483648 : i32
      %broadcast_in_dim3A_351 = vector.broadcast %jit3A_350 : i32 to vector<400x128xi32>
      %select_n3A_352 = arith.select %and3A_349, %or3A_340, %broadcast_in_dim3A_351 : vector<400x128xi1>, vector<400x128xi32>
      %max3A_353 = arith.maxsi %select_n3A_274, %select_n3A_300 : vector<400x128xi32>
      %min3A_354 = arith.minsi %select_n3A_274, %select_n3A_300 : vector<400x128xi32>
      %max3A_355 = arith.maxsi %select_n3A_326, %select_n3A_352 : vector<400x128xi32>
      %min3A_356 = arith.minsi %select_n3A_326, %select_n3A_352 : vector<400x128xi32>
      %max3A_357 = arith.maxsi %max3A_353, %max3A_355 : vector<400x128xi32>
      %min3A_358 = arith.minsi %max3A_353, %max3A_355 : vector<400x128xi32>
      %max3A_359 = arith.maxsi %min3A_354, %min3A_356 : vector<400x128xi32>
      %min3A_360 = arith.minsi %min3A_354, %min3A_356 : vector<400x128xi32>
      %max3A_361 = arith.maxsi %max3A_359, %min3A_358 : vector<400x128xi32>
      %min3A_362 = arith.minsi %max3A_359, %min3A_358 : vector<400x128xi32>
      %get3A_363 = arith.constant 0 : index
      %get3A_364 = arith.constant 0 : index
      %get3A_365 = arith.constant 0 : index
      %get3A_366 = vector.load %arg9[%get3A_363, %get3A_364, %get3A_365] : memref<4x400x128xi32, #tpu.memory_space<vmem>>, vector<1x400x128xi32>
      %get3A_367 = vector.shape_cast %get3A_366 : vector<1x400x128xi32> to vector<400x128xi32>
      %max3A_368 = arith.maxsi %get3A_367, %min3A_360 : vector<400x128xi32>
      %get3A_369 = arith.constant 1 : index
      %get3A_370 = arith.constant 0 : index
      %get3A_371 = arith.constant 0 : index
      %get3A_372 = vector.load %arg9[%get3A_369, %get3A_370, %get3A_371] : memref<4x400x128xi32, #tpu.memory_space<vmem>>, vector<1x400x128xi32>
      %get3A_373 = vector.shape_cast %get3A_372 : vector<1x400x128xi32> to vector<400x128xi32>
      %max3A_374 = arith.maxsi %get3A_373, %min3A_362 : vector<400x128xi32>
      %get3A_375 = arith.constant 2 : index
      %get3A_376 = arith.constant 0 : index
      %get3A_377 = arith.constant 0 : index
      %get3A_378 = vector.load %arg9[%get3A_375, %get3A_376, %get3A_377] : memref<4x400x128xi32, #tpu.memory_space<vmem>>, vector<1x400x128xi32>
      %get3A_379 = vector.shape_cast %get3A_378 : vector<1x400x128xi32> to vector<400x128xi32>
      %max3A_380 = arith.maxsi %get3A_379, %max3A_361 : vector<400x128xi32>
      %get3A_381 = arith.constant 3 : index
      %get3A_382 = arith.constant 0 : index
      %get3A_383 = arith.constant 0 : index
      %get3A_384 = vector.load %arg9[%get3A_381, %get3A_382, %get3A_383] : memref<4x400x128xi32, #tpu.memory_space<vmem>>, vector<1x400x128xi32>
      %get3A_385 = vector.shape_cast %get3A_384 : vector<1x400x128xi32> to vector<400x128xi32>
      %max3A_386 = arith.maxsi %get3A_385, %max3A_357 : vector<400x128xi32>
      %max3A_387 = arith.maxsi %max3A_368, %max3A_380 : vector<400x128xi32>
      %min3A_388 = arith.minsi %max3A_368, %max3A_380 : vector<400x128xi32>
      %max3A_389 = arith.maxsi %max3A_374, %max3A_386 : vector<400x128xi32>
      %min3A_390 = arith.minsi %max3A_374, %max3A_386 : vector<400x128xi32>
      %max3A_391 = arith.maxsi %max3A_387, %max3A_389 : vector<400x128xi32>
      %min3A_392 = arith.minsi %max3A_387, %max3A_389 : vector<400x128xi32>
      %max3A_393 = arith.maxsi %min3A_388, %min3A_390 : vector<400x128xi32>
      %min3A_394 = arith.minsi %min3A_388, %min3A_390 : vector<400x128xi32>
      %swap3A_395 = arith.constant 0 : index
      %swap3A_396 = arith.constant 0 : index
      %swap3A_397 = arith.constant 0 : index
      %swap3A_398 = vector.load %arg9[%swap3A_395, %swap3A_396, %swap3A_397] : memref<4x400x128xi32, #tpu.memory_space<vmem>>, vector<1x400x128xi32>
      %swap3A_399 = vector.shape_cast %swap3A_398 : vector<1x400x128xi32> to vector<400x128xi32>
      %swap3A_400 = vector.shape_cast %max3A_391 : vector<400x128xi32> to vector<1x400x128xi32>
      tpu.vector_store %arg9[%swap3A_395, %swap3A_396, %swap3A_397], %swap3A_400 {strides = array<i32>} : memref<4x400x128xi32, #tpu.memory_space<vmem>>, vector<1x400x128xi32>,
      %swap3A_401 = arith.constant 1 : index
      %swap3A_402 = arith.constant 0 : index
      %swap3A_403 = arith.constant 0 : index
      %swap3A_404 = vector.load %arg9[%swap3A_401, %swap3A_402, %swap3A_403] : memref<4x400x128xi32, #tpu.memory_space<vmem>>, vector<1x400x128xi32>
      %swap3A_405 = vector.shape_cast %swap3A_404 : vector<1x400x128xi32> to vector<400x128xi32>
      %swap3A_406 = vector.shape_cast %min3A_392 : vector<400x128xi32> to vector<1x400x128xi32>
      tpu.vector_store %arg9[%swap3A_401, %swap3A_402, %swap3A_403], %swap3A_406 {strides = array<i32>} : memref<4x400x128xi32, #tpu.memory_space<vmem>>, vector<1x400x128xi32>,
      %swap3A_407 = arith.constant 2 : index
      %swap3A_408 = arith.constant 0 : index
      %swap3A_409 = arith.constant 0 : index
      %swap3A_410 = vector.load %arg9[%swap3A_407, %swap3A_408, %swap3A_409] : memref<4x400x128xi32, #tpu.memory_space<vmem>>, vector<1x400x128xi32>
      %swap3A_411 = vector.shape_cast %swap3A_410 : vector<1x400x128xi32> to vector<400x128xi32>
      %swap3A_412 = vector.shape_cast %max3A_393 : vector<400x128xi32> to vector<1x400x128xi32>
      tpu.vector_store %arg9[%swap3A_407, %swap3A_408, %swap3A_409], %swap3A_412 {strides = array<i32>} : memref<4x400x128xi32, #tpu.memory_space<vmem>>, vector<1x400x128xi32>,
      %swap3A_413 = arith.constant 3 : index
      %swap3A_414 = arith.constant 0 : index
      %swap3A_415 = arith.constant 0 : index
      %swap3A_416 = vector.load %arg9[%swap3A_413, %swap3A_414, %swap3A_415] : memref<4x400x128xi32, #tpu.memory_space<vmem>>, vector<1x400x128xi32>
      %swap3A_417 = vector.shape_cast %swap3A_416 : vector<1x400x128xi32> to vector<400x128xi32>
      %swap3A_418 = vector.shape_cast %min3A_394 : vector<400x128xi32> to vector<1x400x128xi32>
      tpu.vector_store %arg9[%swap3A_413, %swap3A_414, %swap3A_415], %swap3A_418 {strides = array<i32>} : memref<4x400x128xi32, #tpu.memory_space<vmem>>, vector<1x400x128xi32>,
    } else {
    }
    %not3A = arith.constant true
    %not3A_77 = arith.xori %or3A_73, %not3A : i1
    %convert_element_type3A_78 = arith.extui %not3A_77 : i1 to i32
    %cond3A_79 = arith.constant 0 : i32
    %cond3A_80 = arith.cmpi ne, %convert_element_type3A_78, %cond3A_79 : i32
    scf.if %cond3A_80 {
      %slice3A = vector.extract_strided_slice %dot_general3A_15 {offsets = [0, 0], sizes = [400, 128], strides = [1, 1]} : vector<400x1024xf32> to vector<400x128xf32>
      %mul3A_86 = arith.constant 8 : i32
      %mul3A_87 = arith.muli %arg1, %mul3A_86 : i32
      %add3A_88 = arith.constant 0 : i32
      %add3A_89 = arith.addi %mul3A_87, %add3A_88 : i32
      %bitcast_convert_type3A = tpu.bitcast %slice3A : vector<400x128xf32> -> vector<400x128xi32>
      %add3A_90 = arith.constant 64 : i32
      %add3A_91 = vector.broadcast %add3A_90 : i32 to vector<400x128xi32>
      %add3A_92 = arith.addi %bitcast_convert_type3A, %add3A_91 : vector<400x128xi32>
      %and3A_93 = arith.constant -128 : i32
      %and3A_94 = vector.broadcast %and3A_93 : i32 to vector<400x128xi32>
      %and3A_95 = arith.andi %add3A_92, %and3A_94 : vector<400x128xi32>
      %or3A_96 = vector.broadcast %add3A_89 : i32 to vector<400x128xi32>
      %or3A_97 = arith.ori %and3A_95, %or3A_96 : vector<400x128xi32>
      %slice3A_98 = vector.extract_strided_slice %dot_general3A_15 {offsets = [0, 128], sizes = [400, 128], strides = [1, 1]} : vector<400x1024xf32> to vector<400x128xf32>
      %mul3A_99 = arith.constant 8 : i32
      %mul3A_100 = arith.muli %arg1, %mul3A_99 : i32
      %add3A_101 = arith.constant 1 : i32
      %add3A_102 = arith.addi %mul3A_100, %add3A_101 : i32
      %bitcast_convert_type3A_103 = tpu.bitcast %slice3A_98 : vector<400x128xf32> -> vector<400x128xi32>
      %add3A_104 = arith.constant 64 : i32
      %add3A_105 = vector.broadcast %add3A_104 : i32 to vector<400x128xi32>
      %add3A_106 = arith.addi %bitcast_convert_type3A_103, %add3A_105 : vector<400x128xi32>
      %and3A_107 = arith.constant -128 : i32
      %and3A_108 = vector.broadcast %and3A_107 : i32 to vector<400x128xi32>
      %and3A_109 = arith.andi %add3A_106, %and3A_108 : vector<400x128xi32>
      %or3A_110 = vector.broadcast %add3A_102 : i32 to vector<400x128xi32>
      %or3A_111 = arith.ori %and3A_109, %or3A_110 : vector<400x128xi32>
      %slice3A_112 = vector.extract_strided_slice %dot_general3A_15 {offsets = [0, 256], sizes = [400, 128], strides = [1, 1]} : vector<400x1024xf32> to vector<400x128xf32>
      %mul3A_113 = arith.constant 8 : i32
      %mul3A_114 = arith.muli %arg1, %mul3A_113 : i32
      %add3A_115 = arith.constant 2 : i32
      %add3A_116 = arith.addi %mul3A_114, %add3A_115 : i32
      %bitcast_convert_type3A_117 = tpu.bitcast %slice3A_112 : vector<400x128xf32> -> vector<400x128xi32>
      %add3A_118 = arith.constant 64 : i32
      %add3A_119 = vector.broadcast %add3A_118 : i32 to vector<400x128xi32>
      %add3A_120 = arith.addi %bitcast_convert_type3A_117, %add3A_119 : vector<400x128xi32>
      %and3A_121 = arith.constant -128 : i32
      %and3A_122 = vector.broadcast %and3A_121 : i32 to vector<400x128xi32>
      %and3A_123 = arith.andi %add3A_120, %and3A_122 : vector<400x128xi32>
      %or3A_124 = vector.broadcast %add3A_116 : i32 to vector<400x128xi32>
      %or3A_125 = arith.ori %and3A_123, %or3A_124 : vector<400x128xi32>
      %slice3A_126 = vector.extract_strided_slice %dot_general3A_15 {offsets = [0, 384], sizes = [400, 128], strides = [1, 1]} : vector<400x1024xf32> to vector<400x128xf32>
      %mul3A_127 = arith.constant 8 : i32
      %mul3A_128 = arith.muli %arg1, %mul3A_127 : i32
      %add3A_129 = arith.constant 3 : i32
      %add3A_130 = arith.addi %mul3A_128, %add3A_129 : i32
      %bitcast_convert_type3A_131 = tpu.bitcast %slice3A_126 : vector<400x128xf32> -> vector<400x128xi32>
      %add3A_132 = arith.constant 64 : i32
      %add3A_133 = vector.broadcast %add3A_132 : i32 to vector<400x128xi32>
      %add3A_134 = arith.addi %bitcast_convert_type3A_131, %add3A_133 : vector<400x128xi32>
      %and3A_135 = arith.constant -128 : i32
      %and3A_136 = vector.broadcast %and3A_135 : i32 to vector<400x128xi32>
      %and3A_137 = arith.andi %add3A_134, %and3A_136 : vector<400x128xi32>
      %or3A_138 = vector.broadcast %add3A_130 : i32 to vector<400x128xi32>
      %or3A_139 = arith.ori %and3A_137, %or3A_138 : vector<400x128xi32>
      %max3A = arith.maxsi %or3A_97, %or3A_111 : vector<400x128xi32>
      %min3A = arith.minsi %or3A_97, %or3A_111 : vector<400x128xi32>
      %max3A_140 = arith.maxsi %or3A_125, %or3A_139 : vector<400x128xi32>
      %min3A_141 = arith.minsi %or3A_125, %or3A_139 : vector<400x128xi32>
      %max3A_142 = arith.maxsi %max3A, %max3A_140 : vector<400x128xi32>
      %min3A_143 = arith.minsi %max3A, %max3A_140 : vector<400x128xi32>
      %max3A_144 = arith.maxsi %min3A, %min3A_141 : vector<400x128xi32>
      %min3A_145 = arith.minsi %min3A, %min3A_141 : vector<400x128xi32>
      %max3A_146 = arith.maxsi %max3A_144, %min3A_143 : vector<400x128xi32>
      %min3A_147 = arith.minsi %max3A_144, %min3A_143 : vector<400x128xi32>
      %get3A_148 = arith.constant 0 : index
      %get3A_149 = arith.constant 0 : index
      %get3A_150 = arith.constant 0 : index
      %get3A_151 = vector.load %arg9[%get3A_148, %get3A_149, %get3A_150] : memref<4x400x128xi32, #tpu.memory_space<vmem>>, vector<1x400x128xi32>
      %get3A_152 = vector.shape_cast %get3A_151 : vector<1x400x128xi32> to vector<400x128xi32>
      %max3A_153 = arith.maxsi %get3A_152, %min3A_145 : vector<400x128xi32>
      %get3A_154 = arith.constant 1 : index
      %get3A_155 = arith.constant 0 : index
      %get3A_156 = arith.constant 0 : index
      %get3A_157 = vector.load %arg9[%get3A_154, %get3A_155, %get3A_156] : memref<4x400x128xi32, #tpu.memory_space<vmem>>, vector<1x400x128xi32>
      %get3A_158 = vector.shape_cast %get3A_157 : vector<1x400x128xi32> to vector<400x128xi32>
      %max3A_159 = arith.maxsi %get3A_158, %min3A_147 : vector<400x128xi32>
      %get3A_160 = arith.constant 2 : index
      %get3A_161 = arith.constant 0 : index
      %get3A_162 = arith.constant 0 : index
      %get3A_163 = vector.load %arg9[%get3A_160, %get3A_161, %get3A_162] : memref<4x400x128xi32, #tpu.memory_space<vmem>>, vector<1x400x128xi32>
      %get3A_164 = vector.shape_cast %get3A_163 : vector<1x400x128xi32> to vector<400x128xi32>
      %max3A_165 = arith.maxsi %get3A_164, %max3A_146 : vector<400x128xi32>
      %get3A_166 = arith.constant 3 : index
      %get3A_167 = arith.constant 0 : index
      %get3A_168 = arith.constant 0 : index
      %get3A_169 = vector.load %arg9[%get3A_166, %get3A_167, %get3A_168] : memref<4x400x128xi32, #tpu.memory_space<vmem>>, vector<1x400x128xi32>
      %get3A_170 = vector.shape_cast %get3A_169 : vector<1x400x128xi32> to vector<400x128xi32>
      %max3A_171 = arith.maxsi %get3A_170, %max3A_142 : vector<400x128xi32>
      %max3A_172 = arith.maxsi %max3A_153, %max3A_165 : vector<400x128xi32>
      %min3A_173 = arith.minsi %max3A_153, %max3A_165 : vector<400x128xi32>
      %max3A_174 = arith.maxsi %max3A_159, %max3A_171 : vector<400x128xi32>
      %min3A_175 = arith.minsi %max3A_159, %max3A_171 : vector<400x128xi32>
      %max3A_176 = arith.maxsi %max3A_172, %max3A_174 : vector<400x128xi32>
      %min3A_177 = arith.minsi %max3A_172, %max3A_174 : vector<400x128xi32>
      %max3A_178 = arith.maxsi %min3A_173, %min3A_175 : vector<400x128xi32>
      %min3A_179 = arith.minsi %min3A_173, %min3A_175 : vector<400x128xi32>
      %swap3A = arith.constant 0 : index
      %swap3A_180 = arith.constant 0 : index
      %swap3A_181 = arith.constant 0 : index
      %swap3A_182 = vector.load %arg9[%swap3A, %swap3A_180, %swap3A_181] : memref<4x400x128xi32, #tpu.memory_space<vmem>>, vector<1x400x128xi32>
      %swap3A_183 = vector.shape_cast %swap3A_182 : vector<1x400x128xi32> to vector<400x128xi32>
      %swap3A_184 = vector.shape_cast %max3A_176 : vector<400x128xi32> to vector<1x400x128xi32>
      tpu.vector_store %arg9[%swap3A, %swap3A_180, %swap3A_181], %swap3A_184 {strides = array<i32>} : memref<4x400x128xi32, #tpu.memory_space<vmem>>, vector<1x400x128xi32>,
      %swap3A_185 = arith.constant 1 : index
      %swap3A_186 = arith.constant 0 : index
      %swap3A_187 = arith.constant 0 : index
      %swap3A_188 = vector.load %arg9[%swap3A_185, %swap3A_186, %swap3A_187] : memref<4x400x128xi32, #tpu.memory_space<vmem>>, vector<1x400x128xi32>
      %swap3A_189 = vector.shape_cast %swap3A_188 : vector<1x400x128xi32> to vector<400x128xi32>
      %swap3A_190 = vector.shape_cast %min3A_177 : vector<400x128xi32> to vector<1x400x128xi32>
      tpu.vector_store %arg9[%swap3A_185, %swap3A_186, %swap3A_187], %swap3A_190 {strides = array<i32>} : memref<4x400x128xi32, #tpu.memory_space<vmem>>, vector<1x400x128xi32>,
      %swap3A_191 = arith.constant 2 : index
      %swap3A_192 = arith.constant 0 : index
      %swap3A_193 = arith.constant 0 : index
      %swap3A_194 = vector.load %arg9[%swap3A_191, %swap3A_192, %swap3A_193] : memref<4x400x128xi32, #tpu.memory_space<vmem>>, vector<1x400x128xi32>
      %swap3A_195 = vector.shape_cast %swap3A_194 : vector<1x400x128xi32> to vector<400x128xi32>
      %swap3A_196 = vector.shape_cast %max3A_178 : vector<400x128xi32> to vector<1x400x128xi32>
      tpu.vector_store %arg9[%swap3A_191, %swap3A_192, %swap3A_193], %swap3A_196 {strides = array<i32>} : memref<4x400x128xi32, #tpu.memory_space<vmem>>, vector<1x400x128xi32>,
      %swap3A_197 = arith.constant 3 : index
      %swap3A_198 = arith.constant 0 : index
      %swap3A_199 = arith.constant 0 : index
      %swap3A_200 = vector.load %arg9[%swap3A_197, %swap3A_198, %swap3A_199] : memref<4x400x128xi32, #tpu.memory_space<vmem>>, vector<1x400x128xi32>
      %swap3A_201 = vector.shape_cast %swap3A_200 : vector<1x400x128xi32> to vector<400x128xi32>
      %swap3A_202 = vector.shape_cast %min3A_179 : vector<400x128xi32> to vector<1x400x128xi32>
      tpu.vector_store %arg9[%swap3A_197, %swap3A_198, %swap3A_199], %swap3A_202 {strides = array<i32>} : memref<4x400x128xi32, #tpu.memory_space<vmem>>, vector<1x400x128xi32>,
      %slice3A_203 = vector.extract_strided_slice %dot_general3A_15 {offsets = [0, 512], sizes = [400, 128], strides = [1, 1]} : vector<400x1024xf32> to vector<400x128xf32>
      %mul3A_204 = arith.constant 8 : i32
      %mul3A_205 = arith.muli %arg1, %mul3A_204 : i32
      %add3A_206 = arith.constant 4 : i32
      %add3A_207 = arith.addi %mul3A_205, %add3A_206 : i32
      %bitcast_convert_type3A_208 = tpu.bitcast %slice3A_203 : vector<400x128xf32> -> vector<400x128xi32>
      %add3A_209 = arith.constant 64 : i32
      %add3A_210 = vector.broadcast %add3A_209 : i32 to vector<400x128xi32>
      %add3A_211 = arith.addi %bitcast_convert_type3A_208, %add3A_210 : vector<400x128xi32>
      %and3A_212 = arith.constant -128 : i32
      %and3A_213 = vector.broadcast %and3A_212 : i32 to vector<400x128xi32>
      %and3A_214 = arith.andi %add3A_211, %and3A_213 : vector<400x128xi32>
      %or3A_215 = vector.broadcast %add3A_207 : i32 to vector<400x128xi32>
      %or3A_216 = arith.ori %and3A_214, %or3A_215 : vector<400x128xi32>
      %slice3A_217 = vector.extract_strided_slice %dot_general3A_15 {offsets = [0, 640], sizes = [400, 128], strides = [1, 1]} : vector<400x1024xf32> to vector<400x128xf32>
      %mul3A_218 = arith.constant 8 : i32
      %mul3A_219 = arith.muli %arg1, %mul3A_218 : i32
      %add3A_220 = arith.constant 5 : i32
      %add3A_221 = arith.addi %mul3A_219, %add3A_220 : i32
      %bitcast_convert_type3A_222 = tpu.bitcast %slice3A_217 : vector<400x128xf32> -> vector<400x128xi32>
      %add3A_223 = arith.constant 64 : i32
      %add3A_224 = vector.broadcast %add3A_223 : i32 to vector<400x128xi32>
      %add3A_225 = arith.addi %bitcast_convert_type3A_222, %add3A_224 : vector<400x128xi32>
      %and3A_226 = arith.constant -128 : i32
      %and3A_227 = vector.broadcast %and3A_226 : i32 to vector<400x128xi32>
      %and3A_228 = arith.andi %add3A_225, %and3A_227 : vector<400x128xi32>
      %or3A_229 = vector.broadcast %add3A_221 : i32 to vector<400x128xi32>
      %or3A_230 = arith.ori %and3A_228, %or3A_229 : vector<400x128xi32>
      %slice3A_231 = vector.extract_strided_slice %dot_general3A_15 {offsets = [0, 768], sizes = [400, 128], strides = [1, 1]} : vector<400x1024xf32> to vector<400x128xf32>
      %mul3A_232 = arith.constant 8 : i32
      %mul3A_233 = arith.muli %arg1, %mul3A_232 : i32
      %add3A_234 = arith.constant 6 : i32
      %add3A_235 = arith.addi %mul3A_233, %add3A_234 : i32
      %bitcast_convert_type3A_236 = tpu.bitcast %slice3A_231 : vector<400x128xf32> -> vector<400x128xi32>
      %add3A_237 = arith.constant 64 : i32
      %add3A_238 = vector.broadcast %add3A_237 : i32 to vector<400x128xi32>
      %add3A_239 = arith.addi %bitcast_convert_type3A_236, %add3A_238 : vector<400x128xi32>
      %and3A_240 = arith.constant -128 : i32
      %and3A_241 = vector.broadcast %and3A_240 : i32 to vector<400x128xi32>
      %and3A_242 = arith.andi %add3A_239, %and3A_241 : vector<400x128xi32>
      %or3A_243 = vector.broadcast %add3A_235 : i32 to vector<400x128xi32>
      %or3A_244 = arith.ori %and3A_242, %or3A_243 : vector<400x128xi32>
      %slice3A_245 = vector.extract_strided_slice %dot_general3A_15 {offsets = [0, 896], sizes = [400, 128], strides = [1, 1]} : vector<400x1024xf32> to vector<400x128xf32>
      %mul3A_246 = arith.constant 8 : i32
      %mul3A_247 = arith.muli %arg1, %mul3A_246 : i32
      %add3A_248 = arith.constant 7 : i32
      %add3A_249 = arith.addi %mul3A_247, %add3A_248 : i32
      %bitcast_convert_type3A_250 = tpu.bitcast %slice3A_245 : vector<400x128xf32> -> vector<400x128xi32>
      %add3A_251 = arith.constant 64 : i32
      %add3A_252 = vector.broadcast %add3A_251 : i32 to vector<400x128xi32>
      %add3A_253 = arith.addi %bitcast_convert_type3A_250, %add3A_252 : vector<400x128xi32>
      %and3A_254 = arith.constant -128 : i32
      %and3A_255 = vector.broadcast %and3A_254 : i32 to vector<400x128xi32>
      %and3A_256 = arith.andi %add3A_253, %and3A_255 : vector<400x128xi32>
      %or3A_257 = vector.broadcast %add3A_249 : i32 to vector<400x128xi32>
      %or3A_258 = arith.ori %and3A_256, %or3A_257 : vector<400x128xi32>
      %max3A_259 = arith.maxsi %or3A_216, %or3A_230 : vector<400x128xi32>
      %min3A_260 = arith.minsi %or3A_216, %or3A_230 : vector<400x128xi32>
      %max3A_261 = arith.maxsi %or3A_244, %or3A_258 : vector<400x128xi32>
      %min3A_262 = arith.minsi %or3A_244, %or3A_258 : vector<400x128xi32>
      %max3A_263 = arith.maxsi %max3A_259, %max3A_261 : vector<400x128xi32>
      %min3A_264 = arith.minsi %max3A_259, %max3A_261 : vector<400x128xi32>
      %max3A_265 = arith.maxsi %min3A_260, %min3A_262 : vector<400x128xi32>
      %min3A_266 = arith.minsi %min3A_260, %min3A_262 : vector<400x128xi32>
      %max3A_267 = arith.maxsi %max3A_265, %min3A_264 : vector<400x128xi32>
      %min3A_268 = arith.minsi %max3A_265, %min3A_264 : vector<400x128xi32>
      %get3A_269 = arith.constant 0 : index
      %get3A_270 = arith.constant 0 : index
      %get3A_271 = arith.constant 0 : index
      %get3A_272 = vector.load %arg9[%get3A_269, %get3A_270, %get3A_271] : memref<4x400x128xi32, #tpu.memory_space<vmem>>, vector<1x400x128xi32>
      %get3A_273 = vector.shape_cast %get3A_272 : vector<1x400x128xi32> to vector<400x128xi32>
      %max3A_274 = arith.maxsi %get3A_273, %min3A_266 : vector<400x128xi32>
      %get3A_275 = arith.constant 1 : index
      %get3A_276 = arith.constant 0 : index
      %get3A_277 = arith.constant 0 : index
      %get3A_278 = vector.load %arg9[%get3A_275, %get3A_276, %get3A_277] : memref<4x400x128xi32, #tpu.memory_space<vmem>>, vector<1x400x128xi32>
      %get3A_279 = vector.shape_cast %get3A_278 : vector<1x400x128xi32> to vector<400x128xi32>
      %max3A_280 = arith.maxsi %get3A_279, %min3A_268 : vector<400x128xi32>
      %get3A_281 = arith.constant 2 : index
      %get3A_282 = arith.constant 0 : index
      %get3A_283 = arith.constant 0 : index
      %get3A_284 = vector.load %arg9[%get3A_281, %get3A_282, %get3A_283] : memref<4x400x128xi32, #tpu.memory_space<vmem>>, vector<1x400x128xi32>
      %get3A_285 = vector.shape_cast %get3A_284 : vector<1x400x128xi32> to vector<400x128xi32>
      %max3A_286 = arith.maxsi %get3A_285, %max3A_267 : vector<400x128xi32>
      %get3A_287 = arith.constant 3 : index
      %get3A_288 = arith.constant 0 : index
      %get3A_289 = arith.constant 0 : index
      %get3A_290 = vector.load %arg9[%get3A_287, %get3A_288, %get3A_289] : memref<4x400x128xi32, #tpu.memory_space<vmem>>, vector<1x400x128xi32>
      %get3A_291 = vector.shape_cast %get3A_290 : vector<1x400x128xi32> to vector<400x128xi32>
      %max3A_292 = arith.maxsi %get3A_291, %max3A_263 : vector<400x128xi32>
      %max3A_293 = arith.maxsi %max3A_274, %max3A_286 : vector<400x128xi32>
      %min3A_294 = arith.minsi %max3A_274, %max3A_286 : vector<400x128xi32>
      %max3A_295 = arith.maxsi %max3A_280, %max3A_292 : vector<400x128xi32>
      %min3A_296 = arith.minsi %max3A_280, %max3A_292 : vector<400x128xi32>
      %max3A_297 = arith.maxsi %max3A_293, %max3A_295 : vector<400x128xi32>
      %min3A_298 = arith.minsi %max3A_293, %max3A_295 : vector<400x128xi32>
      %max3A_299 = arith.maxsi %min3A_294, %min3A_296 : vector<400x128xi32>
      %min3A_300 = arith.minsi %min3A_294, %min3A_296 : vector<400x128xi32>
      %swap3A_301 = arith.constant 0 : index
      %swap3A_302 = arith.constant 0 : index
      %swap3A_303 = arith.constant 0 : index
      %swap3A_304 = vector.load %arg9[%swap3A_301, %swap3A_302, %swap3A_303] : memref<4x400x128xi32, #tpu.memory_space<vmem>>, vector<1x400x128xi32>
      %swap3A_305 = vector.shape_cast %swap3A_304 : vector<1x400x128xi32> to vector<400x128xi32>
      %swap3A_306 = vector.shape_cast %max3A_297 : vector<400x128xi32> to vector<1x400x128xi32>
      tpu.vector_store %arg9[%swap3A_301, %swap3A_302, %swap3A_303], %swap3A_306 {strides = array<i32>} : memref<4x400x128xi32, #tpu.memory_space<vmem>>, vector<1x400x128xi32>,
      %swap3A_307 = arith.constant 1 : index
      %swap3A_308 = arith.constant 0 : index
      %swap3A_309 = arith.constant 0 : index
      %swap3A_310 = vector.load %arg9[%swap3A_307, %swap3A_308, %swap3A_309] : memref<4x400x128xi32, #tpu.memory_space<vmem>>, vector<1x400x128xi32>
      %swap3A_311 = vector.shape_cast %swap3A_310 : vector<1x400x128xi32> to vector<400x128xi32>
      %swap3A_312 = vector.shape_cast %min3A_298 : vector<400x128xi32> to vector<1x400x128xi32>
      tpu.vector_store %arg9[%swap3A_307, %swap3A_308, %swap3A_309], %swap3A_312 {strides = array<i32>} : memref<4x400x128xi32, #tpu.memory_space<vmem>>, vector<1x400x128xi32>,
      %swap3A_313 = arith.constant 2 : index
      %swap3A_314 = arith.constant 0 : index
      %swap3A_315 = arith.constant 0 : index
      %swap3A_316 = vector.load %arg9[%swap3A_313, %swap3A_314, %swap3A_315] : memref<4x400x128xi32, #tpu.memory_space<vmem>>, vector<1x400x128xi32>
      %swap3A_317 = vector.shape_cast %swap3A_316 : vector<1x400x128xi32> to vector<400x128xi32>
      %swap3A_318 = vector.shape_cast %max3A_299 : vector<400x128xi32> to vector<1x400x128xi32>
      tpu.vector_store %arg9[%swap3A_313, %swap3A_314, %swap3A_315], %swap3A_318 {strides = array<i32>} : memref<4x400x128xi32, #tpu.memory_space<vmem>>, vector<1x400x128xi32>,
      %swap3A_319 = arith.constant 3 : index
      %swap3A_320 = arith.constant 0 : index
      %swap3A_321 = arith.constant 0 : index
      %swap3A_322 = vector.load %arg9[%swap3A_319, %swap3A_320, %swap3A_321] : memref<4x400x128xi32, #tpu.memory_space<vmem>>, vector<1x400x128xi32>
      %swap3A_323 = vector.shape_cast %swap3A_322 : vector<1x400x128xi32> to vector<400x128xi32>
      %swap3A_324 = vector.shape_cast %min3A_300 : vector<400x128xi32> to vector<1x400x128xi32>
      tpu.vector_store %arg9[%swap3A_319, %swap3A_320, %swap3A_321], %swap3A_324 {strides = array<i32>} : memref<4x400x128xi32, #tpu.memory_space<vmem>>, vector<1x400x128xi32>,
    } else {
    }
    %eq3A_81 = arith.constant 9 : i32
    %eq3A_82 = arith.cmpi eq, %arg1, %eq3A_81 : i32
    %convert_element_type3A_83 = arith.extui %eq3A_82 : i1 to i32
    %cond3A_84 = arith.constant 0 : i32
    %cond3A_85 = arith.cmpi ne, %convert_element_type3A_83, %cond3A_84 : i32
    scf.if %cond3A_85 {
      %get3A_86 = arith.constant 0 : index
      %get3A_87 = arith.constant 0 : index
      %get3A_88 = arith.constant 0 : index
      %get3A_89 = vector.load %arg9[%get3A_86, %get3A_87, %get3A_88] : memref<4x400x128xi32, #tpu.memory_space<vmem>>, vector<1x400x128xi32>
      %get3A_90 = vector.shape_cast %get3A_89 : vector<1x400x128xi32> to vector<400x128xi32>
      %get3A_91 = arith.constant 1 : index
      %get3A_92 = arith.constant 0 : index
      %get3A_93 = arith.constant 0 : index
      %get3A_94 = vector.load %arg9[%get3A_91, %get3A_92, %get3A_93] : memref<4x400x128xi32, #tpu.memory_space<vmem>>, vector<1x400x128xi32>
      %get3A_95 = vector.shape_cast %get3A_94 : vector<1x400x128xi32> to vector<400x128xi32>
      %get3A_96 = arith.constant 2 : index
      %get3A_97 = arith.constant 0 : index
      %get3A_98 = arith.constant 0 : index
      %get3A_99 = vector.load %arg9[%get3A_96, %get3A_97, %get3A_98] : memref<4x400x128xi32, #tpu.memory_space<vmem>>, vector<1x400x128xi32>
      %get3A_100 = vector.shape_cast %get3A_99 : vector<1x400x128xi32> to vector<400x128xi32>
      %get3A_101 = arith.constant 3 : index
      %get3A_102 = arith.constant 0 : index
      %get3A_103 = arith.constant 0 : index
      %get3A_104 = vector.load %arg9[%get3A_101, %get3A_102, %get3A_103] : memref<4x400x128xi32, #tpu.memory_space<vmem>>, vector<1x400x128xi32>
      %get3A_105 = vector.shape_cast %get3A_104 : vector<1x400x128xi32> to vector<400x128xi32>
      %reduce_max3A = arith.constant dense<-2147483648> : vector<400xi32>
      %reduce_max3A_106 = vector.multi_reduction <maxsi>, %get3A_90, %reduce_max3A [1] : vector<400x128xi32> to vector<400xi32>
      %broadcast_in_dim3A = vector.shape_cast %reduce_max3A_106 : vector<400xi32> to vector<400x1xi32>
      %broadcast_in_dim3A_107 = vector.shape_cast %broadcast_in_dim3A : vector<400x1xi32> to vector<400x1xi32>
      %broadcast_in_dim3A_108 = vector.broadcast %broadcast_in_dim3A_107 : vector<400x1xi32> to vector<400x128xi32>
      %eq3A_109 = arith.cmpi eq, %get3A_90, %broadcast_in_dim3A_108 : vector<400x128xi32>
      %jit3A_110 = arith.constant 128 : i32
      %broadcast_in_dim3A_111 = vector.broadcast %jit3A_110 : i32 to vector<400x128xi32>
      %select_n3A_112 = arith.select %eq3A_109, %iota3A, %broadcast_in_dim3A_111 : vector<400x128xi1>, vector<400x128xi32>
      %reduce_min3A = arith.constant dense<2147483647> : vector<400xi32>
      %reduce_min3A_113 = vector.multi_reduction <minsi>, %select_n3A_112, %reduce_min3A [1] : vector<400x128xi32> to vector<400xi32>
      %broadcast_in_dim3A_114 = vector.shape_cast %reduce_min3A_113 : vector<400xi32> to vector<400x1xi32>
      %select_n3A_115 = arith.select %eq3A_109, %get3A_95, %get3A_90 : vector<400x128xi1>, vector<400x128xi32>
      %select_n3A_116 = arith.select %eq3A_109, %get3A_100, %get3A_95 : vector<400x128xi1>, vector<400x128xi32>
      %select_n3A_117 = arith.select %eq3A_109, %get3A_105, %get3A_100 : vector<400x128xi1>, vector<400x128xi32>
      %jit3A_118 = arith.constant -2147483648 : i32
      %broadcast_in_dim3A_119 = vector.broadcast %jit3A_118 : i32 to vector<400x128xi32>
      %select_n3A_120 = arith.select %eq3A_109, %broadcast_in_dim3A_119, %get3A_105 : vector<400x128xi1>, vector<400x128xi32>
      %and3A_121 = arith.constant 127 : i32
      %and3A_122 = vector.broadcast %and3A_121 : i32 to vector<400x1xi32>
      %and3A_123 = arith.andi %broadcast_in_dim3A, %and3A_122 : vector<400x1xi32>
      %mul3A_124 = arith.constant 128 : i32
      %mul3A_125 = vector.broadcast %mul3A_124 : i32 to vector<400x1xi32>
      %mul3A_126 = arith.muli %and3A_123, %mul3A_125 : vector<400x1xi32>
      %add3A_127 = arith.addi %mul3A_126, %broadcast_in_dim3A_114 : vector<400x1xi32>
      %and3A_128 = arith.constant -128 : i32
      %and3A_129 = vector.broadcast %and3A_128 : i32 to vector<400x1xi32>
      %and3A_130 = arith.andi %broadcast_in_dim3A, %and3A_129 : vector<400x1xi32>
      %bitcast_convert_type3A = tpu.bitcast %and3A_130 : vector<400x1xi32> -> vector<400x1xf32>
      %reduce_max3A_131 = arith.constant dense<-2147483648> : vector<400xi32>
      %reduce_max3A_132 = vector.multi_reduction <maxsi>, %select_n3A_115, %reduce_max3A_131 [1] : vector<400x128xi32> to vector<400xi32>
      %broadcast_in_dim3A_133 = vector.shape_cast %reduce_max3A_132 : vector<400xi32> to vector<400x1xi32>
      %broadcast_in_dim3A_134 = vector.shape_cast %broadcast_in_dim3A_133 : vector<400x1xi32> to vector<400x1xi32>
      %broadcast_in_dim3A_135 = vector.broadcast %broadcast_in_dim3A_134 : vector<400x1xi32> to vector<400x128xi32>
      %eq3A_136 = arith.cmpi eq, %select_n3A_115, %broadcast_in_dim3A_135 : vector<400x128xi32>
      %jit3A_137 = arith.constant 128 : i32
      %broadcast_in_dim3A_138 = vector.broadcast %jit3A_137 : i32 to vector<400x128xi32>
      %select_n3A_139 = arith.select %eq3A_136, %iota3A, %broadcast_in_dim3A_138 : vector<400x128xi1>, vector<400x128xi32>
      %reduce_min3A_140 = arith.constant dense<2147483647> : vector<400xi32>
      %reduce_min3A_141 = vector.multi_reduction <minsi>, %select_n3A_139, %reduce_min3A_140 [1] : vector<400x128xi32> to vector<400xi32>
      %broadcast_in_dim3A_142 = vector.shape_cast %reduce_min3A_141 : vector<400xi32> to vector<400x1xi32>
      %select_n3A_143 = arith.select %eq3A_136, %select_n3A_116, %select_n3A_115 : vector<400x128xi1>, vector<400x128xi32>
      %select_n3A_144 = arith.select %eq3A_136, %select_n3A_117, %select_n3A_116 : vector<400x128xi1>, vector<400x128xi32>
      %select_n3A_145 = arith.select %eq3A_136, %select_n3A_120, %select_n3A_117 : vector<400x128xi1>, vector<400x128xi32>
      %jit3A_146 = arith.constant -2147483648 : i32
      %broadcast_in_dim3A_147 = vector.broadcast %jit3A_146 : i32 to vector<400x128xi32>
      %select_n3A_148 = arith.select %eq3A_136, %broadcast_in_dim3A_147, %select_n3A_120 : vector<400x128xi1>, vector<400x128xi32>
      %and3A_149 = arith.constant 127 : i32
      %and3A_150 = vector.broadcast %and3A_149 : i32 to vector<400x1xi32>
      %and3A_151 = arith.andi %broadcast_in_dim3A_133, %and3A_150 : vector<400x1xi32>
      %mul3A_152 = arith.constant 128 : i32
      %mul3A_153 = vector.broadcast %mul3A_152 : i32 to vector<400x1xi32>
      %mul3A_154 = arith.muli %and3A_151, %mul3A_153 : vector<400x1xi32>
      %add3A_155 = arith.addi %mul3A_154, %broadcast_in_dim3A_142 : vector<400x1xi32>
      %and3A_156 = arith.constant -128 : i32
      %and3A_157 = vector.broadcast %and3A_156 : i32 to vector<400x1xi32>
      %and3A_158 = arith.andi %broadcast_in_dim3A_133, %and3A_157 : vector<400x1xi32>
      %bitcast_convert_type3A_159 = tpu.bitcast %and3A_158 : vector<400x1xi32> -> vector<400x1xf32>
      %reduce_max3A_160 = arith.constant dense<-2147483648> : vector<400xi32>
      %reduce_max3A_161 = vector.multi_reduction <maxsi>, %select_n3A_143, %reduce_max3A_160 [1] : vector<400x128xi32> to vector<400xi32>
      %broadcast_in_dim3A_162 = vector.shape_cast %reduce_max3A_161 : vector<400xi32> to vector<400x1xi32>
      %broadcast_in_dim3A_163 = vector.shape_cast %broadcast_in_dim3A_162 : vector<400x1xi32> to vector<400x1xi32>
      %broadcast_in_dim3A_164 = vector.broadcast %broadcast_in_dim3A_163 : vector<400x1xi32> to vector<400x128xi32>
      %eq3A_165 = arith.cmpi eq, %select_n3A_143, %broadcast_in_dim3A_164 : vector<400x128xi32>
      %jit3A_166 = arith.constant 128 : i32
      %broadcast_in_dim3A_167 = vector.broadcast %jit3A_166 : i32 to vector<400x128xi32>
      %select_n3A_168 = arith.select %eq3A_165, %iota3A, %broadcast_in_dim3A_167 : vector<400x128xi1>, vector<400x128xi32>
      %reduce_min3A_169 = arith.constant dense<2147483647> : vector<400xi32>
      %reduce_min3A_170 = vector.multi_reduction <minsi>, %select_n3A_168, %reduce_min3A_169 [1] : vector<400x128xi32> to vector<400xi32>
      %broadcast_in_dim3A_171 = vector.shape_cast %reduce_min3A_170 : vector<400xi32> to vector<400x1xi32>
      %select_n3A_172 = arith.select %eq3A_165, %select_n3A_144, %select_n3A_143 : vector<400x128xi1>, vector<400x128xi32>
      %select_n3A_173 = arith.select %eq3A_165, %select_n3A_145, %select_n3A_144 : vector<400x128xi1>, vector<400x128xi32>
      %select_n3A_174 = arith.select %eq3A_165, %select_n3A_148, %select_n3A_145 : vector<400x128xi1>, vector<400x128xi32>
      %jit3A_175 = arith.constant -2147483648 : i32
      %broadcast_in_dim3A_176 = vector.broadcast %jit3A_175 : i32 to vector<400x128xi32>
      %select_n3A_177 = arith.select %eq3A_165, %broadcast_in_dim3A_176, %select_n3A_148 : vector<400x128xi1>, vector<400x128xi32>
      %and3A_178 = arith.constant 127 : i32
      %and3A_179 = vector.broadcast %and3A_178 : i32 to vector<400x1xi32>
      %and3A_180 = arith.andi %broadcast_in_dim3A_162, %and3A_179 : vector<400x1xi32>
      %mul3A_181 = arith.constant 128 : i32
      %mul3A_182 = vector.broadcast %mul3A_181 : i32 to vector<400x1xi32>
      %mul3A_183 = arith.muli %and3A_180, %mul3A_182 : vector<400x1xi32>
      %add3A_184 = arith.addi %mul3A_183, %broadcast_in_dim3A_171 : vector<400x1xi32>
      %and3A_185 = arith.constant -128 : i32
      %and3A_186 = vector.broadcast %and3A_185 : i32 to vector<400x1xi32>
      %and3A_187 = arith.andi %broadcast_in_dim3A_162, %and3A_186 : vector<400x1xi32>
      %bitcast_convert_type3A_188 = tpu.bitcast %and3A_187 : vector<400x1xi32> -> vector<400x1xf32>
      %reduce_max3A_189 = arith.constant dense<-2147483648> : vector<400xi32>
      %reduce_max3A_190 = vector.multi_reduction <maxsi>, %select_n3A_172, %reduce_max3A_189 [1] : vector<400x128xi32> to vector<400xi32>
      %broadcast_in_dim3A_191 = vector.shape_cast %reduce_max3A_190 : vector<400xi32> to vector<400x1xi32>
      %broadcast_in_dim3A_192 = vector.shape_cast %broadcast_in_dim3A_191 : vector<400x1xi32> to vector<400x1xi32>
      %broadcast_in_dim3A_193 = vector.broadcast %broadcast_in_dim3A_192 : vector<400x1xi32> to vector<400x128xi32>
      %eq3A_194 = arith.cmpi eq, %select_n3A_172, %broadcast_in_dim3A_193 : vector<400x128xi32>
      %jit3A_195 = arith.constant 128 : i32
      %broadcast_in_dim3A_196 = vector.broadcast %jit3A_195 : i32 to vector<400x128xi32>
      %select_n3A_197 = arith.select %eq3A_194, %iota3A, %broadcast_in_dim3A_196 : vector<400x128xi1>, vector<400x128xi32>
      %reduce_min3A_198 = arith.constant dense<2147483647> : vector<400xi32>
      %reduce_min3A_199 = vector.multi_reduction <minsi>, %select_n3A_197, %reduce_min3A_198 [1] : vector<400x128xi32> to vector<400xi32>
      %broadcast_in_dim3A_200 = vector.shape_cast %reduce_min3A_199 : vector<400xi32> to vector<400x1xi32>
      %select_n3A_201 = arith.select %eq3A_194, %select_n3A_173, %select_n3A_172 : vector<400x128xi1>, vector<400x128xi32>
      %select_n3A_202 = arith.select %eq3A_194, %select_n3A_174, %select_n3A_173 : vector<400x128xi1>, vector<400x128xi32>
      %select_n3A_203 = arith.select %eq3A_194, %select_n3A_177, %select_n3A_174 : vector<400x128xi1>, vector<400x128xi32>
      %jit3A_204 = arith.constant -2147483648 : i32
      %broadcast_in_dim3A_205 = vector.broadcast %jit3A_204 : i32 to vector<400x128xi32>
      %select_n3A_206 = arith.select %eq3A_194, %broadcast_in_dim3A_205, %select_n3A_177 : vector<400x128xi1>, vector<400x128xi32>
      %and3A_207 = arith.constant 127 : i32
      %and3A_208 = vector.broadcast %and3A_207 : i32 to vector<400x1xi32>
      %and3A_209 = arith.andi %broadcast_in_dim3A_191, %and3A_208 : vector<400x1xi32>
      %mul3A_210 = arith.constant 128 : i32
      %mul3A_211 = vector.broadcast %mul3A_210 : i32 to vector<400x1xi32>
      %mul3A_212 = arith.muli %and3A_209, %mul3A_211 : vector<400x1xi32>
      %add3A_213 = arith.addi %mul3A_212, %broadcast_in_dim3A_200 : vector<400x1xi32>
      %and3A_214 = arith.constant -128 : i32
      %and3A_215 = vector.broadcast %and3A_214 : i32 to vector<400x1xi32>
      %and3A_216 = arith.andi %broadcast_in_dim3A_191, %and3A_215 : vector<400x1xi32>
      %bitcast_convert_type3A_217 = tpu.bitcast %and3A_216 : vector<400x1xi32> -> vector<400x1xf32>
      %reduce_max3A_218 = arith.constant dense<-2147483648> : vector<400xi32>
      %reduce_max3A_219 = vector.multi_reduction <maxsi>, %select_n3A_201, %reduce_max3A_218 [1] : vector<400x128xi32> to vector<400xi32>
      %broadcast_in_dim3A_220 = vector.shape_cast %reduce_max3A_219 : vector<400xi32> to vector<400x1xi32>
      %broadcast_in_dim3A_221 = vector.shape_cast %broadcast_in_dim3A_220 : vector<400x1xi32> to vector<400x1xi32>
      %broadcast_in_dim3A_222 = vector.broadcast %broadcast_in_dim3A_221 : vector<400x1xi32> to vector<400x128xi32>
      %eq3A_223 = arith.cmpi eq, %select_n3A_201, %broadcast_in_dim3A_222 : vector<400x128xi32>
      %jit3A_224 = arith.constant 128 : i32
      %broadcast_in_dim3A_225 = vector.broadcast %jit3A_224 : i32 to vector<400x128xi32>
      %select_n3A_226 = arith.select %eq3A_223, %iota3A, %broadcast_in_dim3A_225 : vector<400x128xi1>, vector<400x128xi32>
      %reduce_min3A_227 = arith.constant dense<2147483647> : vector<400xi32>
      %reduce_min3A_228 = vector.multi_reduction <minsi>, %select_n3A_226, %reduce_min3A_227 [1] : vector<400x128xi32> to vector<400xi32>
      %broadcast_in_dim3A_229 = vector.shape_cast %reduce_min3A_228 : vector<400xi32> to vector<400x1xi32>
      %select_n3A_230 = arith.select %eq3A_223, %select_n3A_202, %select_n3A_201 : vector<400x128xi1>, vector<400x128xi32>
      %select_n3A_231 = arith.select %eq3A_223, %select_n3A_203, %select_n3A_202 : vector<400x128xi1>, vector<400x128xi32>
      %select_n3A_232 = arith.select %eq3A_223, %select_n3A_206, %select_n3A_203 : vector<400x128xi1>, vector<400x128xi32>
      %jit3A_233 = arith.constant -2147483648 : i32
      %broadcast_in_dim3A_234 = vector.broadcast %jit3A_233 : i32 to vector<400x128xi32>
      %select_n3A_235 = arith.select %eq3A_223, %broadcast_in_dim3A_234, %select_n3A_206 : vector<400x128xi1>, vector<400x128xi32>
      %and3A_236 = arith.constant 127 : i32
      %and3A_237 = vector.broadcast %and3A_236 : i32 to vector<400x1xi32>
      %and3A_238 = arith.andi %broadcast_in_dim3A_220, %and3A_237 : vector<400x1xi32>
      %mul3A_239 = arith.constant 128 : i32
      %mul3A_240 = vector.broadcast %mul3A_239 : i32 to vector<400x1xi32>
      %mul3A_241 = arith.muli %and3A_238, %mul3A_240 : vector<400x1xi32>
      %add3A_242 = arith.addi %mul3A_241, %broadcast_in_dim3A_229 : vector<400x1xi32>
      %and3A_243 = arith.constant -128 : i32
      %and3A_244 = vector.broadcast %and3A_243 : i32 to vector<400x1xi32>
      %and3A_245 = arith.andi %broadcast_in_dim3A_220, %and3A_244 : vector<400x1xi32>
      %bitcast_convert_type3A_246 = tpu.bitcast %and3A_245 : vector<400x1xi32> -> vector<400x1xf32>
      %reduce_max3A_247 = arith.constant dense<-2147483648> : vector<400xi32>
      %reduce_max3A_248 = vector.multi_reduction <maxsi>, %select_n3A_230, %reduce_max3A_247 [1] : vector<400x128xi32> to vector<400xi32>
      %broadcast_in_dim3A_249 = vector.shape_cast %reduce_max3A_248 : vector<400xi32> to vector<400x1xi32>
      %broadcast_in_dim3A_250 = vector.shape_cast %broadcast_in_dim3A_249 : vector<400x1xi32> to vector<400x1xi32>
      %broadcast_in_dim3A_251 = vector.broadcast %broadcast_in_dim3A_250 : vector<400x1xi32> to vector<400x128xi32>
      %eq3A_252 = arith.cmpi eq, %select_n3A_230, %broadcast_in_dim3A_251 : vector<400x128xi32>
      %jit3A_253 = arith.constant 128 : i32
      %broadcast_in_dim3A_254 = vector.broadcast %jit3A_253 : i32 to vector<400x128xi32>
      %select_n3A_255 = arith.select %eq3A_252, %iota3A, %broadcast_in_dim3A_254 : vector<400x128xi1>, vector<400x128xi32>
      %reduce_min3A_256 = arith.constant dense<2147483647> : vector<400xi32>
      %reduce_min3A_257 = vector.multi_reduction <minsi>, %select_n3A_255, %reduce_min3A_256 [1] : vector<400x128xi32> to vector<400xi32>
      %broadcast_in_dim3A_258 = vector.shape_cast %reduce_min3A_257 : vector<400xi32> to vector<400x1xi32>
      %select_n3A_259 = arith.select %eq3A_252, %select_n3A_231, %select_n3A_230 : vector<400x128xi1>, vector<400x128xi32>
      %select_n3A_260 = arith.select %eq3A_252, %select_n3A_232, %select_n3A_231 : vector<400x128xi1>, vector<400x128xi32>
      %select_n3A_261 = arith.select %eq3A_252, %select_n3A_235, %select_n3A_232 : vector<400x128xi1>, vector<400x128xi32>
      %jit3A_262 = arith.constant -2147483648 : i32
      %broadcast_in_dim3A_263 = vector.broadcast %jit3A_262 : i32 to vector<400x128xi32>
      %select_n3A_264 = arith.select %eq3A_252, %broadcast_in_dim3A_263, %select_n3A_235 : vector<400x128xi1>, vector<400x128xi32>
      %and3A_265 = arith.constant 127 : i32
      %and3A_266 = vector.broadcast %and3A_265 : i32 to vector<400x1xi32>
      %and3A_267 = arith.andi %broadcast_in_dim3A_249, %and3A_266 : vector<400x1xi32>
      %mul3A_268 = arith.constant 128 : i32
      %mul3A_269 = vector.broadcast %mul3A_268 : i32 to vector<400x1xi32>
      %mul3A_270 = arith.muli %and3A_267, %mul3A_269 : vector<400x1xi32>
      %add3A_271 = arith.addi %mul3A_270, %broadcast_in_dim3A_258 : vector<400x1xi32>
      %and3A_272 = arith.constant -128 : i32
      %and3A_273 = vector.broadcast %and3A_272 : i32 to vector<400x1xi32>
      %and3A_274 = arith.andi %broadcast_in_dim3A_249, %and3A_273 : vector<400x1xi32>
      %bitcast_convert_type3A_275 = tpu.bitcast %and3A_274 : vector<400x1xi32> -> vector<400x1xf32>
      %reduce_max3A_276 = arith.constant dense<-2147483648> : vector<400xi32>
      %reduce_max3A_277 = vector.multi_reduction <maxsi>, %select_n3A_259, %reduce_max3A_276 [1] : vector<400x128xi32> to vector<400xi32>
      %broadcast_in_dim3A_278 = vector.shape_cast %reduce_max3A_277 : vector<400xi32> to vector<400x1xi32>
      %broadcast_in_dim3A_279 = vector.shape_cast %broadcast_in_dim3A_278 : vector<400x1xi32> to vector<400x1xi32>
      %broadcast_in_dim3A_280 = vector.broadcast %broadcast_in_dim3A_279 : vector<400x1xi32> to vector<400x128xi32>
      %eq3A_281 = arith.cmpi eq, %select_n3A_259, %broadcast_in_dim3A_280 : vector<400x128xi32>
      %jit3A_282 = arith.constant 128 : i32
      %broadcast_in_dim3A_283 = vector.broadcast %jit3A_282 : i32 to vector<400x128xi32>
      %select_n3A_284 = arith.select %eq3A_281, %iota3A, %broadcast_in_dim3A_283 : vector<400x128xi1>, vector<400x128xi32>
      %reduce_min3A_285 = arith.constant dense<2147483647> : vector<400xi32>
      %reduce_min3A_286 = vector.multi_reduction <minsi>, %select_n3A_284, %reduce_min3A_285 [1] : vector<400x128xi32> to vector<400xi32>
      %broadcast_in_dim3A_287 = vector.shape_cast %reduce_min3A_286 : vector<400xi32> to vector<400x1xi32>
      %select_n3A_288 = arith.select %eq3A_281, %select_n3A_260, %select_n3A_259 : vector<400x128xi1>, vector<400x128xi32>
      %select_n3A_289 = arith.select %eq3A_281, %select_n3A_261, %select_n3A_260 : vector<400x128xi1>, vector<400x128xi32>
      %select_n3A_290 = arith.select %eq3A_281, %select_n3A_264, %select_n3A_261 : vector<400x128xi1>, vector<400x128xi32>
      %jit3A_291 = arith.constant -2147483648 : i32
      %broadcast_in_dim3A_292 = vector.broadcast %jit3A_291 : i32 to vector<400x128xi32>
      %select_n3A_293 = arith.select %eq3A_281, %broadcast_in_dim3A_292, %select_n3A_264 : vector<400x128xi1>, vector<400x128xi32>
      %and3A_294 = arith.constant 127 : i32
      %and3A_295 = vector.broadcast %and3A_294 : i32 to vector<400x1xi32>
      %and3A_296 = arith.andi %broadcast_in_dim3A_278, %and3A_295 : vector<400x1xi32>
      %mul3A_297 = arith.constant 128 : i32
      %mul3A_298 = vector.broadcast %mul3A_297 : i32 to vector<400x1xi32>
      %mul3A_299 = arith.muli %and3A_296, %mul3A_298 : vector<400x1xi32>
      %add3A_300 = arith.addi %mul3A_299, %broadcast_in_dim3A_287 : vector<400x1xi32>
      %and3A_301 = arith.constant -128 : i32
      %and3A_302 = vector.broadcast %and3A_301 : i32 to vector<400x1xi32>
      %and3A_303 = arith.andi %broadcast_in_dim3A_278, %and3A_302 : vector<400x1xi32>
      %bitcast_convert_type3A_304 = tpu.bitcast %and3A_303 : vector<400x1xi32> -> vector<400x1xf32>
      %reduce_max3A_305 = arith.constant dense<-2147483648> : vector<400xi32>
      %reduce_max3A_306 = vector.multi_reduction <maxsi>, %select_n3A_288, %reduce_max3A_305 [1] : vector<400x128xi32> to vector<400xi32>
      %broadcast_in_dim3A_307 = vector.shape_cast %reduce_max3A_306 : vector<400xi32> to vector<400x1xi32>
      %broadcast_in_dim3A_308 = vector.shape_cast %broadcast_in_dim3A_307 : vector<400x1xi32> to vector<400x1xi32>
      %broadcast_in_dim3A_309 = vector.broadcast %broadcast_in_dim3A_308 : vector<400x1xi32> to vector<400x128xi32>
      %eq3A_310 = arith.cmpi eq, %select_n3A_288, %broadcast_in_dim3A_309 : vector<400x128xi32>
      %jit3A_311 = arith.constant 128 : i32
      %broadcast_in_dim3A_312 = vector.broadcast %jit3A_311 : i32 to vector<400x128xi32>
      %select_n3A_313 = arith.select %eq3A_310, %iota3A, %broadcast_in_dim3A_312 : vector<400x128xi1>, vector<400x128xi32>
      %reduce_min3A_314 = arith.constant dense<2147483647> : vector<400xi32>
      %reduce_min3A_315 = vector.multi_reduction <minsi>, %select_n3A_313, %reduce_min3A_314 [1] : vector<400x128xi32> to vector<400xi32>
      %broadcast_in_dim3A_316 = vector.shape_cast %reduce_min3A_315 : vector<400xi32> to vector<400x1xi32>
      %select_n3A_317 = arith.select %eq3A_310, %select_n3A_289, %select_n3A_288 : vector<400x128xi1>, vector<400x128xi32>
      %select_n3A_318 = arith.select %eq3A_310, %select_n3A_290, %select_n3A_289 : vector<400x128xi1>, vector<400x128xi32>
      %select_n3A_319 = arith.select %eq3A_310, %select_n3A_293, %select_n3A_290 : vector<400x128xi1>, vector<400x128xi32>
      %jit3A_320 = arith.constant -2147483648 : i32
      %broadcast_in_dim3A_321 = vector.broadcast %jit3A_320 : i32 to vector<400x128xi32>
      %select_n3A_322 = arith.select %eq3A_310, %broadcast_in_dim3A_321, %select_n3A_293 : vector<400x128xi1>, vector<400x128xi32>
      %and3A_323 = arith.constant 127 : i32
      %and3A_324 = vector.broadcast %and3A_323 : i32 to vector<400x1xi32>
      %and3A_325 = arith.andi %broadcast_in_dim3A_307, %and3A_324 : vector<400x1xi32>
      %mul3A_326 = arith.constant 128 : i32
      %mul3A_327 = vector.broadcast %mul3A_326 : i32 to vector<400x1xi32>
      %mul3A_328 = arith.muli %and3A_325, %mul3A_327 : vector<400x1xi32>
      %add3A_329 = arith.addi %mul3A_328, %broadcast_in_dim3A_316 : vector<400x1xi32>
      %and3A_330 = arith.constant -128 : i32
      %and3A_331 = vector.broadcast %and3A_330 : i32 to vector<400x1xi32>
      %and3A_332 = arith.andi %broadcast_in_dim3A_307, %and3A_331 : vector<400x1xi32>
      %bitcast_convert_type3A_333 = tpu.bitcast %and3A_332 : vector<400x1xi32> -> vector<400x1xf32>
      %reduce_max3A_334 = arith.constant dense<-2147483648> : vector<400xi32>
      %reduce_max3A_335 = vector.multi_reduction <maxsi>, %select_n3A_317, %reduce_max3A_334 [1] : vector<400x128xi32> to vector<400xi32>
      %broadcast_in_dim3A_336 = vector.shape_cast %reduce_max3A_335 : vector<400xi32> to vector<400x1xi32>
      %broadcast_in_dim3A_337 = vector.shape_cast %broadcast_in_dim3A_336 : vector<400x1xi32> to vector<400x1xi32>
      %broadcast_in_dim3A_338 = vector.broadcast %broadcast_in_dim3A_337 : vector<400x1xi32> to vector<400x128xi32>
      %eq3A_339 = arith.cmpi eq, %select_n3A_317, %broadcast_in_dim3A_338 : vector<400x128xi32>
      %jit3A_340 = arith.constant 128 : i32
      %broadcast_in_dim3A_341 = vector.broadcast %jit3A_340 : i32 to vector<400x128xi32>
      %select_n3A_342 = arith.select %eq3A_339, %iota3A, %broadcast_in_dim3A_341 : vector<400x128xi1>, vector<400x128xi32>
      %reduce_min3A_343 = arith.constant dense<2147483647> : vector<400xi32>
      %reduce_min3A_344 = vector.multi_reduction <minsi>, %select_n3A_342, %reduce_min3A_343 [1] : vector<400x128xi32> to vector<400xi32>
      %broadcast_in_dim3A_345 = vector.shape_cast %reduce_min3A_344 : vector<400xi32> to vector<400x1xi32>
      %select_n3A_346 = arith.select %eq3A_339, %select_n3A_318, %select_n3A_317 : vector<400x128xi1>, vector<400x128xi32>
      %select_n3A_347 = arith.select %eq3A_339, %select_n3A_319, %select_n3A_318 : vector<400x128xi1>, vector<400x128xi32>
      %select_n3A_348 = arith.select %eq3A_339, %select_n3A_322, %select_n3A_319 : vector<400x128xi1>, vector<400x128xi32>
      %jit3A_349 = arith.constant -2147483648 : i32
      %broadcast_in_dim3A_350 = vector.broadcast %jit3A_349 : i32 to vector<400x128xi32>
      %select_n3A_351 = arith.select %eq3A_339, %broadcast_in_dim3A_350, %select_n3A_322 : vector<400x128xi1>, vector<400x128xi32>
      %and3A_352 = arith.constant 127 : i32
      %and3A_353 = vector.broadcast %and3A_352 : i32 to vector<400x1xi32>
      %and3A_354 = arith.andi %broadcast_in_dim3A_336, %and3A_353 : vector<400x1xi32>
      %mul3A_355 = arith.constant 128 : i32
      %mul3A_356 = vector.broadcast %mul3A_355 : i32 to vector<400x1xi32>
      %mul3A_357 = arith.muli %and3A_354, %mul3A_356 : vector<400x1xi32>
      %add3A_358 = arith.addi %mul3A_357, %broadcast_in_dim3A_345 : vector<400x1xi32>
      %and3A_359 = arith.constant -128 : i32
      %and3A_360 = vector.broadcast %and3A_359 : i32 to vector<400x1xi32>
      %and3A_361 = arith.andi %broadcast_in_dim3A_336, %and3A_360 : vector<400x1xi32>
      %bitcast_convert_type3A_362 = tpu.bitcast %and3A_361 : vector<400x1xi32> -> vector<400x1xf32>
      %reduce_max3A_363 = arith.constant dense<-2147483648> : vector<400xi32>
      %reduce_max3A_364 = vector.multi_reduction <maxsi>, %select_n3A_346, %reduce_max3A_363 [1] : vector<400x128xi32> to vector<400xi32>
      %broadcast_in_dim3A_365 = vector.shape_cast %reduce_max3A_364 : vector<400xi32> to vector<400x1xi32>
      %broadcast_in_dim3A_366 = vector.shape_cast %broadcast_in_dim3A_365 : vector<400x1xi32> to vector<400x1xi32>
      %broadcast_in_dim3A_367 = vector.broadcast %broadcast_in_dim3A_366 : vector<400x1xi32> to vector<400x128xi32>
      %eq3A_368 = arith.cmpi eq, %select_n3A_346, %broadcast_in_dim3A_367 : vector<400x128xi32>
      %jit3A_369 = arith.constant 128 : i32
      %broadcast_in_dim3A_370 = vector.broadcast %jit3A_369 : i32 to vector<400x128xi32>
      %select_n3A_371 = arith.select %eq3A_368, %iota3A, %broadcast_in_dim3A_370 : vector<400x128xi1>, vector<400x128xi32>
      %reduce_min3A_372 = arith.constant dense<2147483647> : vector<400xi32>
      %reduce_min3A_373 = vector.multi_reduction <minsi>, %select_n3A_371, %reduce_min3A_372 [1] : vector<400x128xi32> to vector<400xi32>
      %broadcast_in_dim3A_374 = vector.shape_cast %reduce_min3A_373 : vector<400xi32> to vector<400x1xi32>
      %select_n3A_375 = arith.select %eq3A_368, %select_n3A_347, %select_n3A_346 : vector<400x128xi1>, vector<400x128xi32>
      %select_n3A_376 = arith.select %eq3A_368, %select_n3A_348, %select_n3A_347 : vector<400x128xi1>, vector<400x128xi32>
      %select_n3A_377 = arith.select %eq3A_368, %select_n3A_351, %select_n3A_348 : vector<400x128xi1>, vector<400x128xi32>
      %jit3A_378 = arith.constant -2147483648 : i32
      %broadcast_in_dim3A_379 = vector.broadcast %jit3A_378 : i32 to vector<400x128xi32>
      %select_n3A_380 = arith.select %eq3A_368, %broadcast_in_dim3A_379, %select_n3A_351 : vector<400x128xi1>, vector<400x128xi32>
      %and3A_381 = arith.constant 127 : i32
      %and3A_382 = vector.broadcast %and3A_381 : i32 to vector<400x1xi32>
      %and3A_383 = arith.andi %broadcast_in_dim3A_365, %and3A_382 : vector<400x1xi32>
      %mul3A_384 = arith.constant 128 : i32
      %mul3A_385 = vector.broadcast %mul3A_384 : i32 to vector<400x1xi32>
      %mul3A_386 = arith.muli %and3A_383, %mul3A_385 : vector<400x1xi32>
      %add3A_387 = arith.addi %mul3A_386, %broadcast_in_dim3A_374 : vector<400x1xi32>
      %and3A_388 = arith.constant -128 : i32
      %and3A_389 = vector.broadcast %and3A_388 : i32 to vector<400x1xi32>
      %and3A_390 = arith.andi %broadcast_in_dim3A_365, %and3A_389 : vector<400x1xi32>
      %bitcast_convert_type3A_391 = tpu.bitcast %and3A_390 : vector<400x1xi32> -> vector<400x1xf32>
      %reduce_max3A_392 = arith.constant dense<-2147483648> : vector<400xi32>
      %reduce_max3A_393 = vector.multi_reduction <maxsi>, %select_n3A_375, %reduce_max3A_392 [1] : vector<400x128xi32> to vector<400xi32>
      %broadcast_in_dim3A_394 = vector.shape_cast %reduce_max3A_393 : vector<400xi32> to vector<400x1xi32>
      %broadcast_in_dim3A_395 = vector.shape_cast %broadcast_in_dim3A_394 : vector<400x1xi32> to vector<400x1xi32>
      %broadcast_in_dim3A_396 = vector.broadcast %broadcast_in_dim3A_395 : vector<400x1xi32> to vector<400x128xi32>
      %eq3A_397 = arith.cmpi eq, %select_n3A_375, %broadcast_in_dim3A_396 : vector<400x128xi32>
      %jit3A_398 = arith.constant 128 : i32
      %broadcast_in_dim3A_399 = vector.broadcast %jit3A_398 : i32 to vector<400x128xi32>
      %select_n3A_400 = arith.select %eq3A_397, %iota3A, %broadcast_in_dim3A_399 : vector<400x128xi1>, vector<400x128xi32>
      %reduce_min3A_401 = arith.constant dense<2147483647> : vector<400xi32>
      %reduce_min3A_402 = vector.multi_reduction <minsi>, %select_n3A_400, %reduce_min3A_401 [1] : vector<400x128xi32> to vector<400xi32>
      %broadcast_in_dim3A_403 = vector.shape_cast %reduce_min3A_402 : vector<400xi32> to vector<400x1xi32>
      %select_n3A_404 = arith.select %eq3A_397, %select_n3A_376, %select_n3A_375 : vector<400x128xi1>, vector<400x128xi32>
      %select_n3A_405 = arith.select %eq3A_397, %select_n3A_377, %select_n3A_376 : vector<400x128xi1>, vector<400x128xi32>
      %select_n3A_406 = arith.select %eq3A_397, %select_n3A_380, %select_n3A_377 : vector<400x128xi1>, vector<400x128xi32>
      %jit3A_407 = arith.constant -2147483648 : i32
      %broadcast_in_dim3A_408 = vector.broadcast %jit3A_407 : i32 to vector<400x128xi32>
      %select_n3A_409 = arith.select %eq3A_397, %broadcast_in_dim3A_408, %select_n3A_380 : vector<400x128xi1>, vector<400x128xi32>
      %and3A_410 = arith.constant 127 : i32
      %and3A_411 = vector.broadcast %and3A_410 : i32 to vector<400x1xi32>
      %and3A_412 = arith.andi %broadcast_in_dim3A_394, %and3A_411 : vector<400x1xi32>
      %mul3A_413 = arith.constant 128 : i32
      %mul3A_414 = vector.broadcast %mul3A_413 : i32 to vector<400x1xi32>
      %mul3A_415 = arith.muli %and3A_412, %mul3A_414 : vector<400x1xi32>
      %add3A_416 = arith.addi %mul3A_415, %broadcast_in_dim3A_403 : vector<400x1xi32>
      %and3A_417 = arith.constant -128 : i32
      %and3A_418 = vector.broadcast %and3A_417 : i32 to vector<400x1xi32>
      %and3A_419 = arith.andi %broadcast_in_dim3A_394, %and3A_418 : vector<400x1xi32>
      %bitcast_convert_type3A_420 = tpu.bitcast %and3A_419 : vector<400x1xi32> -> vector<400x1xf32>
      %reduce_max3A_421 = arith.constant dense<-2147483648> : vector<400xi32>
      %reduce_max3A_422 = vector.multi_reduction <maxsi>, %select_n3A_404, %reduce_max3A_421 [1] : vector<400x128xi32> to vector<400xi32>
      %broadcast_in_dim3A_423 = vector.shape_cast %reduce_max3A_422 : vector<400xi32> to vector<400x1xi32>
      %broadcast_in_dim3A_424 = vector.shape_cast %broadcast_in_dim3A_423 : vector<400x1xi32> to vector<400x1xi32>
      %broadcast_in_dim3A_425 = vector.broadcast %broadcast_in_dim3A_424 : vector<400x1xi32> to vector<400x128xi32>
      %eq3A_426 = arith.cmpi eq, %select_n3A_404, %broadcast_in_dim3A_425 : vector<400x128xi32>
      %jit3A_427 = arith.constant 128 : i32
      %broadcast_in_dim3A_428 = vector.broadcast %jit3A_427 : i32 to vector<400x128xi32>
      %select_n3A_429 = arith.select %eq3A_426, %iota3A, %broadcast_in_dim3A_428 : vector<400x128xi1>, vector<400x128xi32>
      %reduce_min3A_430 = arith.constant dense<2147483647> : vector<400xi32>
      %reduce_min3A_431 = vector.multi_reduction <minsi>, %select_n3A_429, %reduce_min3A_430 [1] : vector<400x128xi32> to vector<400xi32>
      %broadcast_in_dim3A_432 = vector.shape_cast %reduce_min3A_431 : vector<400xi32> to vector<400x1xi32>
      %select_n3A_433 = arith.select %eq3A_426, %select_n3A_405, %select_n3A_404 : vector<400x128xi1>, vector<400x128xi32>
      %select_n3A_434 = arith.select %eq3A_426, %select_n3A_406, %select_n3A_405 : vector<400x128xi1>, vector<400x128xi32>
      %select_n3A_435 = arith.select %eq3A_426, %select_n3A_409, %select_n3A_406 : vector<400x128xi1>, vector<400x128xi32>
      %jit3A_436 = arith.constant -2147483648 : i32
      %broadcast_in_dim3A_437 = vector.broadcast %jit3A_436 : i32 to vector<400x128xi32>
      %select_n3A_438 = arith.select %eq3A_426, %broadcast_in_dim3A_437, %select_n3A_409 : vector<400x128xi1>, vector<400x128xi32>
      %and3A_439 = arith.constant 127 : i32
      %and3A_440 = vector.broadcast %and3A_439 : i32 to vector<400x1xi32>
      %and3A_441 = arith.andi %broadcast_in_dim3A_423, %and3A_440 : vector<400x1xi32>
      %mul3A_442 = arith.constant 128 : i32
      %mul3A_443 = vector.broadcast %mul3A_442 : i32 to vector<400x1xi32>
      %mul3A_444 = arith.muli %and3A_441, %mul3A_443 : vector<400x1xi32>
      %add3A_445 = arith.addi %mul3A_444, %broadcast_in_dim3A_432 : vector<400x1xi32>
      %and3A_446 = arith.constant -128 : i32
      %and3A_447 = vector.broadcast %and3A_446 : i32 to vector<400x1xi32>
      %and3A_448 = arith.andi %broadcast_in_dim3A_423, %and3A_447 : vector<400x1xi32>
      %bitcast_convert_type3A_449 = tpu.bitcast %and3A_448 : vector<400x1xi32> -> vector<400x1xf32>
      %reduce_max3A_450 = arith.constant dense<-2147483648> : vector<400xi32>
      %reduce_max3A_451 = vector.multi_reduction <maxsi>, %select_n3A_433, %reduce_max3A_450 [1] : vector<400x128xi32> to vector<400xi32>
      %broadcast_in_dim3A_452 = vector.shape_cast %reduce_max3A_451 : vector<400xi32> to vector<400x1xi32>
      %broadcast_in_dim3A_453 = vector.shape_cast %broadcast_in_dim3A_452 : vector<400x1xi32> to vector<400x1xi32>
      %broadcast_in_dim3A_454 = vector.broadcast %broadcast_in_dim3A_453 : vector<400x1xi32> to vector<400x128xi32>
      %eq3A_455 = arith.cmpi eq, %select_n3A_433, %broadcast_in_dim3A_454 : vector<400x128xi32>
      %jit3A_456 = arith.constant 128 : i32
      %broadcast_in_dim3A_457 = vector.broadcast %jit3A_456 : i32 to vector<400x128xi32>
      %select_n3A_458 = arith.select %eq3A_455, %iota3A, %broadcast_in_dim3A_457 : vector<400x128xi1>, vector<400x128xi32>
      %reduce_min3A_459 = arith.constant dense<2147483647> : vector<400xi32>
      %reduce_min3A_460 = vector.multi_reduction <minsi>, %select_n3A_458, %reduce_min3A_459 [1] : vector<400x128xi32> to vector<400xi32>
      %broadcast_in_dim3A_461 = vector.shape_cast %reduce_min3A_460 : vector<400xi32> to vector<400x1xi32>
      %select_n3A_462 = arith.select %eq3A_455, %select_n3A_434, %select_n3A_433 : vector<400x128xi1>, vector<400x128xi32>
      %select_n3A_463 = arith.select %eq3A_455, %select_n3A_435, %select_n3A_434 : vector<400x128xi1>, vector<400x128xi32>
      %select_n3A_464 = arith.select %eq3A_455, %select_n3A_438, %select_n3A_435 : vector<400x128xi1>, vector<400x128xi32>
      %jit3A_465 = arith.constant -2147483648 : i32
      %broadcast_in_dim3A_466 = vector.broadcast %jit3A_465 : i32 to vector<400x128xi32>
      %select_n3A_467 = arith.select %eq3A_455, %broadcast_in_dim3A_466, %select_n3A_438 : vector<400x128xi1>, vector<400x128xi32>
      %and3A_468 = arith.constant 127 : i32
      %and3A_469 = vector.broadcast %and3A_468 : i32 to vector<400x1xi32>
      %and3A_470 = arith.andi %broadcast_in_dim3A_452, %and3A_469 : vector<400x1xi32>
      %mul3A_471 = arith.constant 128 : i32
      %mul3A_472 = vector.broadcast %mul3A_471 : i32 to vector<400x1xi32>
      %mul3A_473 = arith.muli %and3A_470, %mul3A_472 : vector<400x1xi32>
      %add3A_474 = arith.addi %mul3A_473, %broadcast_in_dim3A_461 : vector<400x1xi32>
      %and3A_475 = arith.constant -128 : i32
      %and3A_476 = vector.broadcast %and3A_475 : i32 to vector<400x1xi32>
      %and3A_477 = arith.andi %broadcast_in_dim3A_452, %and3A_476 : vector<400x1xi32>
      %bitcast_convert_type3A_478 = tpu.bitcast %and3A_477 : vector<400x1xi32> -> vector<400x1xf32>
      %reduce_max3A_479 = arith.constant dense<-2147483648> : vector<400xi32>
      %reduce_max3A_480 = vector.multi_reduction <maxsi>, %select_n3A_462, %reduce_max3A_479 [1] : vector<400x128xi32> to vector<400xi32>
      %broadcast_in_dim3A_481 = vector.shape_cast %reduce_max3A_480 : vector<400xi32> to vector<400x1xi32>
      %broadcast_in_dim3A_482 = vector.shape_cast %broadcast_in_dim3A_481 : vector<400x1xi32> to vector<400x1xi32>
      %broadcast_in_dim3A_483 = vector.broadcast %broadcast_in_dim3A_482 : vector<400x1xi32> to vector<400x128xi32>
      %eq3A_484 = arith.cmpi eq, %select_n3A_462, %broadcast_in_dim3A_483 : vector<400x128xi32>
      %jit3A_485 = arith.constant 128 : i32
      %broadcast_in_dim3A_486 = vector.broadcast %jit3A_485 : i32 to vector<400x128xi32>
      %select_n3A_487 = arith.select %eq3A_484, %iota3A, %broadcast_in_dim3A_486 : vector<400x128xi1>, vector<400x128xi32>
      %reduce_min3A_488 = arith.constant dense<2147483647> : vector<400xi32>
      %reduce_min3A_489 = vector.multi_reduction <minsi>, %select_n3A_487, %reduce_min3A_488 [1] : vector<400x128xi32> to vector<400xi32>
      %broadcast_in_dim3A_490 = vector.shape_cast %reduce_min3A_489 : vector<400xi32> to vector<400x1xi32>
      %select_n3A_491 = arith.select %eq3A_484, %select_n3A_463, %select_n3A_462 : vector<400x128xi1>, vector<400x128xi32>
      %select_n3A_492 = arith.select %eq3A_484, %select_n3A_464, %select_n3A_463 : vector<400x128xi1>, vector<400x128xi32>
      %select_n3A_493 = arith.select %eq3A_484, %select_n3A_467, %select_n3A_464 : vector<400x128xi1>, vector<400x128xi32>
      %jit3A_494 = arith.constant -2147483648 : i32
      %broadcast_in_dim3A_495 = vector.broadcast %jit3A_494 : i32 to vector<400x128xi32>
      %select_n3A_496 = arith.select %eq3A_484, %broadcast_in_dim3A_495, %select_n3A_467 : vector<400x128xi1>, vector<400x128xi32>
      %and3A_497 = arith.constant 127 : i32
      %and3A_498 = vector.broadcast %and3A_497 : i32 to vector<400x1xi32>
      %and3A_499 = arith.andi %broadcast_in_dim3A_481, %and3A_498 : vector<400x1xi32>
      %mul3A_500 = arith.constant 128 : i32
      %mul3A_501 = vector.broadcast %mul3A_500 : i32 to vector<400x1xi32>
      %mul3A_502 = arith.muli %and3A_499, %mul3A_501 : vector<400x1xi32>
      %add3A_503 = arith.addi %mul3A_502, %broadcast_in_dim3A_490 : vector<400x1xi32>
      %and3A_504 = arith.constant -128 : i32
      %and3A_505 = vector.broadcast %and3A_504 : i32 to vector<400x1xi32>
      %and3A_506 = arith.andi %broadcast_in_dim3A_481, %and3A_505 : vector<400x1xi32>
      %bitcast_convert_type3A_507 = tpu.bitcast %and3A_506 : vector<400x1xi32> -> vector<400x1xf32>
      %reduce_max3A_508 = arith.constant dense<-2147483648> : vector<400xi32>
      %reduce_max3A_509 = vector.multi_reduction <maxsi>, %select_n3A_491, %reduce_max3A_508 [1] : vector<400x128xi32> to vector<400xi32>
      %broadcast_in_dim3A_510 = vector.shape_cast %reduce_max3A_509 : vector<400xi32> to vector<400x1xi32>
      %broadcast_in_dim3A_511 = vector.shape_cast %broadcast_in_dim3A_510 : vector<400x1xi32> to vector<400x1xi32>
      %broadcast_in_dim3A_512 = vector.broadcast %broadcast_in_dim3A_511 : vector<400x1xi32> to vector<400x128xi32>
      %eq3A_513 = arith.cmpi eq, %select_n3A_491, %broadcast_in_dim3A_512 : vector<400x128xi32>
      %jit3A_514 = arith.constant 128 : i32
      %broadcast_in_dim3A_515 = vector.broadcast %jit3A_514 : i32 to vector<400x128xi32>
      %select_n3A_516 = arith.select %eq3A_513, %iota3A, %broadcast_in_dim3A_515 : vector<400x128xi1>, vector<400x128xi32>
      %reduce_min3A_517 = arith.constant dense<2147483647> : vector<400xi32>
      %reduce_min3A_518 = vector.multi_reduction <minsi>, %select_n3A_516, %reduce_min3A_517 [1] : vector<400x128xi32> to vector<400xi32>
      %broadcast_in_dim3A_519 = vector.shape_cast %reduce_min3A_518 : vector<400xi32> to vector<400x1xi32>
      %select_n3A_520 = arith.select %eq3A_513, %select_n3A_492, %select_n3A_491 : vector<400x128xi1>, vector<400x128xi32>
      %select_n3A_521 = arith.select %eq3A_513, %select_n3A_493, %select_n3A_492 : vector<400x128xi1>, vector<400x128xi32>
      %select_n3A_522 = arith.select %eq3A_513, %select_n3A_496, %select_n3A_493 : vector<400x128xi1>, vector<400x128xi32>
      %jit3A_523 = arith.constant -2147483648 : i32
      %broadcast_in_dim3A_524 = vector.broadcast %jit3A_523 : i32 to vector<400x128xi32>
      %select_n3A_525 = arith.select %eq3A_513, %broadcast_in_dim3A_524, %select_n3A_496 : vector<400x128xi1>, vector<400x128xi32>
      %and3A_526 = arith.constant 127 : i32
      %and3A_527 = vector.broadcast %and3A_526 : i32 to vector<400x1xi32>
      %and3A_528 = arith.andi %broadcast_in_dim3A_510, %and3A_527 : vector<400x1xi32>
      %mul3A_529 = arith.constant 128 : i32
      %mul3A_530 = vector.broadcast %mul3A_529 : i32 to vector<400x1xi32>
      %mul3A_531 = arith.muli %and3A_528, %mul3A_530 : vector<400x1xi32>
      %add3A_532 = arith.addi %mul3A_531, %broadcast_in_dim3A_519 : vector<400x1xi32>
      %and3A_533 = arith.constant -128 : i32
      %and3A_534 = vector.broadcast %and3A_533 : i32 to vector<400x1xi32>
      %and3A_535 = arith.andi %broadcast_in_dim3A_510, %and3A_534 : vector<400x1xi32>
      %bitcast_convert_type3A_536 = tpu.bitcast %and3A_535 : vector<400x1xi32> -> vector<400x1xf32>
      %reduce_max3A_537 = arith.constant dense<-2147483648> : vector<400xi32>
      %reduce_max3A_538 = vector.multi_reduction <maxsi>, %select_n3A_520, %reduce_max3A_537 [1] : vector<400x128xi32> to vector<400xi32>
      %broadcast_in_dim3A_539 = vector.shape_cast %reduce_max3A_538 : vector<400xi32> to vector<400x1xi32>
      %broadcast_in_dim3A_540 = vector.shape_cast %broadcast_in_dim3A_539 : vector<400x1xi32> to vector<400x1xi32>
      %broadcast_in_dim3A_541 = vector.broadcast %broadcast_in_dim3A_540 : vector<400x1xi32> to vector<400x128xi32>
      %eq3A_542 = arith.cmpi eq, %select_n3A_520, %broadcast_in_dim3A_541 : vector<400x128xi32>
      %jit3A_543 = arith.constant 128 : i32
      %broadcast_in_dim3A_544 = vector.broadcast %jit3A_543 : i32 to vector<400x128xi32>
      %select_n3A_545 = arith.select %eq3A_542, %iota3A, %broadcast_in_dim3A_544 : vector<400x128xi1>, vector<400x128xi32>
      %reduce_min3A_546 = arith.constant dense<2147483647> : vector<400xi32>
      %reduce_min3A_547 = vector.multi_reduction <minsi>, %select_n3A_545, %reduce_min3A_546 [1] : vector<400x128xi32> to vector<400xi32>
      %broadcast_in_dim3A_548 = vector.shape_cast %reduce_min3A_547 : vector<400xi32> to vector<400x1xi32>
      %select_n3A_549 = arith.select %eq3A_542, %select_n3A_521, %select_n3A_520 : vector<400x128xi1>, vector<400x128xi32>
      %select_n3A_550 = arith.select %eq3A_542, %select_n3A_522, %select_n3A_521 : vector<400x128xi1>, vector<400x128xi32>
      %select_n3A_551 = arith.select %eq3A_542, %select_n3A_525, %select_n3A_522 : vector<400x128xi1>, vector<400x128xi32>
      %jit3A_552 = arith.constant -2147483648 : i32
      %broadcast_in_dim3A_553 = vector.broadcast %jit3A_552 : i32 to vector<400x128xi32>
      %select_n3A_554 = arith.select %eq3A_542, %broadcast_in_dim3A_553, %select_n3A_525 : vector<400x128xi1>, vector<400x128xi32>
      %and3A_555 = arith.constant 127 : i32
      %and3A_556 = vector.broadcast %and3A_555 : i32 to vector<400x1xi32>
      %and3A_557 = arith.andi %broadcast_in_dim3A_539, %and3A_556 : vector<400x1xi32>
      %mul3A_558 = arith.constant 128 : i32
      %mul3A_559 = vector.broadcast %mul3A_558 : i32 to vector<400x1xi32>
      %mul3A_560 = arith.muli %and3A_557, %mul3A_559 : vector<400x1xi32>
      %add3A_561 = arith.addi %mul3A_560, %broadcast_in_dim3A_548 : vector<400x1xi32>
      %and3A_562 = arith.constant -128 : i32
      %and3A_563 = vector.broadcast %and3A_562 : i32 to vector<400x1xi32>
      %and3A_564 = arith.andi %broadcast_in_dim3A_539, %and3A_563 : vector<400x1xi32>
      %bitcast_convert_type3A_565 = tpu.bitcast %and3A_564 : vector<400x1xi32> -> vector<400x1xf32>
      %reduce_max3A_566 = arith.constant dense<-2147483648> : vector<400xi32>
      %reduce_max3A_567 = vector.multi_reduction <maxsi>, %select_n3A_549, %reduce_max3A_566 [1] : vector<400x128xi32> to vector<400xi32>
      %broadcast_in_dim3A_568 = vector.shape_cast %reduce_max3A_567 : vector<400xi32> to vector<400x1xi32>
      %broadcast_in_dim3A_569 = vector.shape_cast %broadcast_in_dim3A_568 : vector<400x1xi32> to vector<400x1xi32>
      %broadcast_in_dim3A_570 = vector.broadcast %broadcast_in_dim3A_569 : vector<400x1xi32> to vector<400x128xi32>
      %eq3A_571 = arith.cmpi eq, %select_n3A_549, %broadcast_in_dim3A_570 : vector<400x128xi32>
      %jit3A_572 = arith.constant 128 : i32
      %broadcast_in_dim3A_573 = vector.broadcast %jit3A_572 : i32 to vector<400x128xi32>
      %select_n3A_574 = arith.select %eq3A_571, %iota3A, %broadcast_in_dim3A_573 : vector<400x128xi1>, vector<400x128xi32>
      %reduce_min3A_575 = arith.constant dense<2147483647> : vector<400xi32>
      %reduce_min3A_576 = vector.multi_reduction <minsi>, %select_n3A_574, %reduce_min3A_575 [1] : vector<400x128xi32> to vector<400xi32>
      %broadcast_in_dim3A_577 = vector.shape_cast %reduce_min3A_576 : vector<400xi32> to vector<400x1xi32>
      %select_n3A_578 = arith.select %eq3A_571, %select_n3A_550, %select_n3A_549 : vector<400x128xi1>, vector<400x128xi32>
      %select_n3A_579 = arith.select %eq3A_571, %select_n3A_551, %select_n3A_550 : vector<400x128xi1>, vector<400x128xi32>
      %select_n3A_580 = arith.select %eq3A_571, %select_n3A_554, %select_n3A_551 : vector<400x128xi1>, vector<400x128xi32>
      %and3A_581 = arith.constant 127 : i32
      %and3A_582 = vector.broadcast %and3A_581 : i32 to vector<400x1xi32>
      %and3A_583 = arith.andi %broadcast_in_dim3A_568, %and3A_582 : vector<400x1xi32>
      %mul3A_584 = arith.constant 128 : i32
      %mul3A_585 = vector.broadcast %mul3A_584 : i32 to vector<400x1xi32>
      %mul3A_586 = arith.muli %and3A_583, %mul3A_585 : vector<400x1xi32>
      %add3A_587 = arith.addi %mul3A_586, %broadcast_in_dim3A_577 : vector<400x1xi32>
      %and3A_588 = arith.constant -128 : i32
      %and3A_589 = vector.broadcast %and3A_588 : i32 to vector<400x1xi32>
      %and3A_590 = arith.andi %broadcast_in_dim3A_568, %and3A_589 : vector<400x1xi32>
      %bitcast_convert_type3A_591 = tpu.bitcast %and3A_590 : vector<400x1xi32> -> vector<400x1xf32>
      %reduce_max3A_592 = arith.constant dense<-2147483648> : vector<400xi32>
      %reduce_max3A_593 = vector.multi_reduction <maxsi>, %select_n3A_578, %reduce_max3A_592 [1] : vector<400x128xi32> to vector<400xi32>
      %broadcast_in_dim3A_594 = vector.shape_cast %reduce_max3A_593 : vector<400xi32> to vector<400x1xi32>
      %broadcast_in_dim3A_595 = vector.shape_cast %broadcast_in_dim3A_594 : vector<400x1xi32> to vector<400x1xi32>
      %broadcast_in_dim3A_596 = vector.broadcast %broadcast_in_dim3A_595 : vector<400x1xi32> to vector<400x128xi32>
      %eq3A_597 = arith.cmpi eq, %select_n3A_578, %broadcast_in_dim3A_596 : vector<400x128xi32>
      %jit3A_598 = arith.constant 128 : i32
      %broadcast_in_dim3A_599 = vector.broadcast %jit3A_598 : i32 to vector<400x128xi32>
      %select_n3A_600 = arith.select %eq3A_597, %iota3A, %broadcast_in_dim3A_599 : vector<400x128xi1>, vector<400x128xi32>
      %reduce_min3A_601 = arith.constant dense<2147483647> : vector<400xi32>
      %reduce_min3A_602 = vector.multi_reduction <minsi>, %select_n3A_600, %reduce_min3A_601 [1] : vector<400x128xi32> to vector<400xi32>
      %broadcast_in_dim3A_603 = vector.shape_cast %reduce_min3A_602 : vector<400xi32> to vector<400x1xi32>
      %select_n3A_604 = arith.select %eq3A_597, %select_n3A_579, %select_n3A_578 : vector<400x128xi1>, vector<400x128xi32>
      %select_n3A_605 = arith.select %eq3A_597, %select_n3A_580, %select_n3A_579 : vector<400x128xi1>, vector<400x128xi32>
      %and3A_606 = arith.constant 127 : i32
      %and3A_607 = vector.broadcast %and3A_606 : i32 to vector<400x1xi32>
      %and3A_608 = arith.andi %broadcast_in_dim3A_594, %and3A_607 : vector<400x1xi32>
      %mul3A_609 = arith.constant 128 : i32
      %mul3A_610 = vector.broadcast %mul3A_609 : i32 to vector<400x1xi32>
      %mul3A_611 = arith.muli %and3A_608, %mul3A_610 : vector<400x1xi32>
      %add3A_612 = arith.addi %mul3A_611, %broadcast_in_dim3A_603 : vector<400x1xi32>
      %and3A_613 = arith.constant -128 : i32
      %and3A_614 = vector.broadcast %and3A_613 : i32 to vector<400x1xi32>
      %and3A_615 = arith.andi %broadcast_in_dim3A_594, %and3A_614 : vector<400x1xi32>
      %bitcast_convert_type3A_616 = tpu.bitcast %and3A_615 : vector<400x1xi32> -> vector<400x1xf32>
      %reduce_max3A_617 = arith.constant dense<-2147483648> : vector<400xi32>
      %reduce_max3A_618 = vector.multi_reduction <maxsi>, %select_n3A_604, %reduce_max3A_617 [1] : vector<400x128xi32> to vector<400xi32>
      %broadcast_in_dim3A_619 = vector.shape_cast %reduce_max3A_618 : vector<400xi32> to vector<400x1xi32>
      %broadcast_in_dim3A_620 = vector.shape_cast %broadcast_in_dim3A_619 : vector<400x1xi32> to vector<400x1xi32>
      %broadcast_in_dim3A_621 = vector.broadcast %broadcast_in_dim3A_620 : vector<400x1xi32> to vector<400x128xi32>
      %eq3A_622 = arith.cmpi eq, %select_n3A_604, %broadcast_in_dim3A_621 : vector<400x128xi32>
      %jit3A_623 = arith.constant 128 : i32
      %broadcast_in_dim3A_624 = vector.broadcast %jit3A_623 : i32 to vector<400x128xi32>
      %select_n3A_625 = arith.select %eq3A_622, %iota3A, %broadcast_in_dim3A_624 : vector<400x128xi1>, vector<400x128xi32>
      %reduce_min3A_626 = arith.constant dense<2147483647> : vector<400xi32>
      %reduce_min3A_627 = vector.multi_reduction <minsi>, %select_n3A_625, %reduce_min3A_626 [1] : vector<400x128xi32> to vector<400xi32>
      %broadcast_in_dim3A_628 = vector.shape_cast %reduce_min3A_627 : vector<400xi32> to vector<400x1xi32>
      %select_n3A_629 = arith.select %eq3A_622, %select_n3A_605, %select_n3A_604 : vector<400x128xi1>, vector<400x128xi32>
      %and3A_630 = arith.constant 127 : i32
      %and3A_631 = vector.broadcast %and3A_630 : i32 to vector<400x1xi32>
      %and3A_632 = arith.andi %broadcast_in_dim3A_619, %and3A_631 : vector<400x1xi32>
      %mul3A_633 = arith.constant 128 : i32
      %mul3A_634 = vector.broadcast %mul3A_633 : i32 to vector<400x1xi32>
      %mul3A_635 = arith.muli %and3A_632, %mul3A_634 : vector<400x1xi32>
      %add3A_636 = arith.addi %mul3A_635, %broadcast_in_dim3A_628 : vector<400x1xi32>
      %and3A_637 = arith.constant -128 : i32
      %and3A_638 = vector.broadcast %and3A_637 : i32 to vector<400x1xi32>
      %and3A_639 = arith.andi %broadcast_in_dim3A_619, %and3A_638 : vector<400x1xi32>
      %bitcast_convert_type3A_640 = tpu.bitcast %and3A_639 : vector<400x1xi32> -> vector<400x1xf32>
      %reduce_max3A_641 = arith.constant dense<-2147483648> : vector<400xi32>
      %reduce_max3A_642 = vector.multi_reduction <maxsi>, %select_n3A_629, %reduce_max3A_641 [1] : vector<400x128xi32> to vector<400xi32>
      %broadcast_in_dim3A_643 = vector.shape_cast %reduce_max3A_642 : vector<400xi32> to vector<400x1xi32>
      %broadcast_in_dim3A_644 = vector.shape_cast %broadcast_in_dim3A_643 : vector<400x1xi32> to vector<400x1xi32>
      %broadcast_in_dim3A_645 = vector.broadcast %broadcast_in_dim3A_644 : vector<400x1xi32> to vector<400x128xi32>
      %eq3A_646 = arith.cmpi eq, %select_n3A_629, %broadcast_in_dim3A_645 : vector<400x128xi32>
      %jit3A_647 = arith.constant 128 : i32
      %broadcast_in_dim3A_648 = vector.broadcast %jit3A_647 : i32 to vector<400x128xi32>
      %select_n3A_649 = arith.select %eq3A_646, %iota3A, %broadcast_in_dim3A_648 : vector<400x128xi1>, vector<400x128xi32>
      %reduce_min3A_650 = arith.constant dense<2147483647> : vector<400xi32>
      %reduce_min3A_651 = vector.multi_reduction <minsi>, %select_n3A_649, %reduce_min3A_650 [1] : vector<400x128xi32> to vector<400xi32>
      %broadcast_in_dim3A_652 = vector.shape_cast %reduce_min3A_651 : vector<400xi32> to vector<400x1xi32>
      %and3A_653 = arith.constant 127 : i32
      %and3A_654 = vector.broadcast %and3A_653 : i32 to vector<400x1xi32>
      %and3A_655 = arith.andi %broadcast_in_dim3A_643, %and3A_654 : vector<400x1xi32>
      %mul3A_656 = arith.constant 128 : i32
      %mul3A_657 = vector.broadcast %mul3A_656 : i32 to vector<400x1xi32>
      %mul3A_658 = arith.muli %and3A_655, %mul3A_657 : vector<400x1xi32>
      %add3A_659 = arith.addi %mul3A_658, %broadcast_in_dim3A_652 : vector<400x1xi32>
      %and3A_660 = arith.constant -128 : i32
      %and3A_661 = vector.broadcast %and3A_660 : i32 to vector<400x1xi32>
      %and3A_662 = arith.andi %broadcast_in_dim3A_643, %and3A_661 : vector<400x1xi32>
      %bitcast_convert_type3A_663 = tpu.bitcast %and3A_662 : vector<400x1xi32> -> vector<400x1xf32>
      %concatenate3A = tpu.concatenate %bitcast_convert_type3A, %bitcast_convert_type3A_159, %bitcast_convert_type3A_188, %bitcast_convert_type3A_217, %bitcast_convert_type3A_246, %bitcast_convert_type3A_275, %bitcast_convert_type3A_304, %bitcast_convert_type3A_333, %bitcast_convert_type3A_362, %bitcast_convert_type3A_391, %bitcast_convert_type3A_420, %bitcast_convert_type3A_449, %bitcast_convert_type3A_478, %bitcast_convert_type3A_507, %bitcast_convert_type3A_536, %bitcast_convert_type3A_565, %bitcast_convert_type3A_591, %bitcast_convert_type3A_616, %bitcast_convert_type3A_640, %bitcast_convert_type3A_663 in 1 : vector<400x1xf32>, vector<400x1xf32>, vector<400x1xf32>, vector<400x1xf32>, vector<400x1xf32>, vector<400x1xf32>, vector<400x1xf32>, vector<400x1xf32>, vector<400x1xf32>, vector<400x1xf32>, vector<400x1xf32>, vector<400x1xf32>, vector<400x1xf32>, vector<400x1xf32>, vector<400x1xf32>, vector<400x1xf32>, vector<400x1xf32>, vector<400x1xf32>, vector<400x1xf32>, vector<400x1xf32> -> vector<400x20xf32>
      %sqrt3A = arith.constant 1.280000e+02 : f32
      %sqrt3A_664 = math.sqrt %sqrt3A : f32
      %div3A_665 = vector.broadcast %sqrt3A_664 : f32 to vector<400x20xf32>
      %div3A_666 = arith.divf %concatenate3A, %div3A_665 : vector<400x20xf32>
      %slice3A = vector.extract_strided_slice %div3A_666 {offsets = [0, 0], sizes = [400, 1], strides = [1, 1]} : vector<400x20xf32> to vector<400x1xf32>
      %sub3A_667 = vector.broadcast %slice3A : vector<400x1xf32> to vector<400x20xf32>
      %sub3A_668 = arith.subf %div3A_666, %sub3A_667 : vector<400x20xf32>
      %exp3A = math.exp %sub3A_668 : vector<400x20xf32>
      %reduce_sum3A = arith.constant dense<0.000000e+00> : vector<400xf32>
      %reduce_sum3A_669 = vector.multi_reduction <add>, %exp3A, %reduce_sum3A [1] : vector<400x20xf32> to vector<400xf32>
      %broadcast_in_dim3A_670 = vector.shape_cast %reduce_sum3A_669 : vector<400xf32> to vector<400x1xf32>
      %div3A_671 = vector.broadcast %broadcast_in_dim3A_670 : vector<400x1xf32> to vector<400x20xf32>
      %div3A_672 = arith.divf %exp3A, %div3A_671 : vector<400x20xf32>
      %concatenate3A_673 = tpu.concatenate %add3A_127, %add3A_155, %add3A_184, %add3A_213, %add3A_242, %add3A_271, %add3A_300, %add3A_329, %add3A_358, %add3A_387, %add3A_416, %add3A_445, %add3A_474, %add3A_503, %add3A_532, %add3A_561, %add3A_587, %add3A_612, %add3A_636, %add3A_659 in 1 : vector<400x1xi32>, vector<400x1xi32>, vector<400x1xi32>, vector<400x1xi32>, vector<400x1xi32>, vector<400x1xi32>, vector<400x1xi32>, vector<400x1xi32>, vector<400x1xi32>, vector<400x1xi32>, vector<400x1xi32>, vector<400x1xi32>, vector<400x1xi32>, vector<400x1xi32>, vector<400x1xi32>, vector<400x1xi32>, vector<400x1xi32>, vector<400x1xi32>, vector<400x1xi32>, vector<400x1xi32> -> vector<400x20xi32>
      %mul3A_674 = arith.constant 400 : i32
      %mul3A_675 = arith.muli %arg0, %mul3A_674 : i32
      %iota3A_676 = tpu.iota {dimensions = array<i32: 0>} : vector<400x12xi32>
      %add3A_677 = vector.broadcast %mul3A_675 : i32 to vector<400x12xi32>
      %add3A_678 = arith.addi %add3A_677, %iota3A_676 : vector<400x12xi32>
      %broadcast_in_dim3A_679 = arith.constant 0.000000e+00 : f32
      %broadcast_in_dim3A_680 = vector.broadcast %broadcast_in_dim3A_679 : f32 to vector<400x12xf32>
      %concatenate3A_681 = tpu.concatenate %div3A_672, %broadcast_in_dim3A_680 in 1 : vector<400x20xf32>, vector<400x12xf32> -> vector<400x32xf32>
      %swap3A = arith.constant 0 : index
      %swap3A_682 = arith.constant 0 : index
      %swap3A_683 = vector.load %arg5[%swap3A, %swap3A_682] : memref<400x32xf32, #tpu.memory_space<vmem>>, vector<400x32xf32>
      tpu.vector_store %arg5[%swap3A, %swap3A_682], %concatenate3A_681 {strides = array<i32>} : memref<400x32xf32, #tpu.memory_space<vmem>>, vector<400x32xf32>,
      %concatenate3A_684 = tpu.concatenate %concatenate3A_673, %add3A_678 in 1 : vector<400x20xi32>, vector<400x12xi32> -> vector<400x32xi32>
      %swap3A_685 = arith.constant 0 : index
      %swap3A_686 = arith.constant 0 : index
      %swap3A_687 = vector.load %arg6[%swap3A_685, %swap3A_686] : memref<400x32xi32, #tpu.memory_space<vmem>>, vector<400x32xi32>
      tpu.vector_store %arg6[%swap3A_685, %swap3A_686], %concatenate3A_684 {strides = array<i32>} : memref<400x32xi32, #tpu.memory_space<vmem>>, vector<400x32xi32>,
    } else {
    }
    return
  }
  func.func @transform_0(%arg0: i32, %arg1: i32) -> (i32, i32) {
    %c0_i32 = arith.constant 0 : i32
    %c0_i32_0 = arith.constant 0 : i32
    %c0_i32_1 = arith.constant 0 : i32
    return %c0_i32, %c0_i32_0 : i32, i32
  }
  func.func @transform_1(%arg0: i32, %arg1: i32) -> (i32, i32) {
    %c0_i32 = arith.constant 0 : i32
    %c0_i32_0 = arith.constant 0 : i32
    %c0_i32_1 = arith.constant 0 : i32
    return %c0_i32, %c0_i32_0 : i32, i32
  }
  func.func @transform_2(%arg0: i32, %arg1: i32) -> (i32, i32) {
    %c0_i32 = arith.constant 0 : i32
    %c0_i32_0 = arith.constant 0 : i32
    %c0_i32_1 = arith.constant 0 : i32
    return %c0_i32, %c0_i32_0 : i32, i32
  }
  func.func @transform_3(%arg0: i32, %arg1: i32) -> (i32, i32) {
    %c0_i32 = arith.constant 0 : i32
    %c0_i32_0 = arith.constant 0 : i32
    return %arg0, %c0_i32 : i32, i32
  }
  func.func @transform_4(%arg0: i32, %arg1: i32) -> (i32, i32) {
    %c0_i32 = arith.constant 0 : i32
    %c0_i32_0 = arith.constant 0 : i32
    return %arg0, %c0_i32 : i32, i32
  }
}

</mosaic_0001>

<sc_bundles>
// kernel: kernel.4.cloned.1.call-start
scs
__scs_entry_jumppad:
0x0: {  	(pc) =	sbr.rel $0x88, $3  }
0x1: {  	(tag) =	ssettag $0x0;
	lr =	simm.s32 $0x1  }
0x2: {  	[smem:$0x3F9E] =	sst lr;
	_ =	strace $0xD0000000  }
0x3: {  	_ = 	snop  }
0x4: {  	_ = 	snop  }
0x5: {  	_ = 	snop  }
0x6: {  	_ = 	snop  }
0x7: {  	_ = 	snop  }
__scs_overlays_trampoline_lowered:
0x8: {  	[smem:$0x3FAD] =	sst s0  }
0x9: {  	[smem:$0x3FAE] =	sst s1  }
0xa: {  	[smem:$0x3FAF] =	sst s2  }
0xb: {  	[smem:$0x3FB0] =	sst s3  }
0xc: {  	[smem:$0x3FB1] =	sst s4  }
0xd: {  	[smem:$0x3FB2] =	sst s5  }
0xe: {  	[smem:$0x3FB3] =	sst s6  }
0xf: {  	[smem:$0x3FB4] =	sst s7  }
0x10: {  	[smem:$0x3FB5] =	sst s8  }
0x11: {  	[smem:$0x3FB6] =	sst s9;
	s0 =	simm.s32 @!p0 $0x0  }
0x12: {  	s1 =	sld [smem:$0x3F9C];
	s0 =	simm.s32 @p0 $0x1  }
0x13: {  	[smem:$0x3FB7] =	sst s0;
	s0 =	simm.s32 @!p1 $0x0  }
0x14: {  	s2 =	sld [smem:$0x3F9B];
	s0 =	simm.s32 @p1 $0x1  }
0x15: {  	[smem:$0x3FB8] =	sst s0;
	s0 =	simm.s32 @!p2 $0x0  }
0x16: {  	s3 =	sld [smem:$0x3FDB];
	s0 =	simm.s32 @p2 $0x1  }
0x17: {  	s4 =	simm.s32 $0x1BF5;
	[smem:$0x3FBA] =	sst s0  }
0x18: {  	s0 =	sld [smem:$0x3F9D];
	_ =	swait.ge [sflag:s4], $0x0  }
0x19: {  	s7 =	sld [smem:$0x3F9E]  }
0x1a: {  	s8 =	sadd.s32 $0xFFFFE003, lr  }
0x1b: {  	s9 =	sadd.s32 $0xFFFFFEF7, lr;
	s5 =	simm.s32 $0xFFFFFFFF;
	p2 =	slt.u32 s8, $0xFFFFF086  }
0x1c: {  	p1 =	slt.u32 s9, $0xF7A;
	s5 =	simm.s32 @!p2 $0x0  }
0x1d: {  	s5 =	simm.s32 @p1 $0x1;
	p0 =	seq.s32 s7, s2  }
0x1e: {  	s7 =	smul.u32 @!p0 $0xF7A, s2;
	p2 =	seq.s32 @!p0 s5, $0x0  }
0x1f: {  	s9 =	smul.u32 $0xF7A, s1;
	s8 =	simm.s32 @!p0 $0x1BF5;
	p2 =	por !p2, p0  }
0x20: {  	[sflag:s8] =	ssyncset.s32 @!p0 $0xFFFFF086;
	s6 =	sadd.s32 @!p0 s3, s7;
	s7 =	simm.s32 @!p0 $0x108  }
0x21: {  	s3 =	sadd.s32 s3, s9;
	s6 =	sadd.s32 @!p0 $0x88, s6;
	s7 =	simm.s32 @p2 $0x1082  }
0x22: {  	[simem:s7], [sflag:s8] =	dma.local @!p0 [hbm:s6], $0xF7A  }
0x23: {  	s9 =	sor.u32 $0xD0000000, s2;
	s6 =	simm.s32 $0x108;
	_ =	swait.ge @!p0 [sflag:s8], $0x0  }
0x24: {  	s3 =	sadd.s32 $0x88, s3;
	s6 =	simm.s32 @!p1 $0x1082;
	[sflag:s4] =	ssyncset.s32 $0xFFFFF086  }
0x25: {  	[simem:s6], [sflag:s4] =	dma.local [hbm:s3], $0xF7A  }
0x26: {  	[smem:$0x3F9E] =	sst s1;
	(tag) =	ssettag s2;
	_ =	strace s9  }
0x27: {  	s1 =	sld [smem:$0x3FAE]  }
0x28: {  	s2 =	sld [smem:$0x3FAF]  }
0x29: {  	s4 =	sld [smem:$0x3FB1]  }
0x2a: {  	p0 =	seq.s32 s5, $0x0;
	s5 =	sld [smem:$0x3FB2]  }
0x2b: {  	s6 =	sld [smem:$0x3FB3]  }
0x2c: {  	s7 =	sld [smem:$0x3FB4]  }
0x2d: {  	s3 =	simm.s32 $0x108;
	s8 =	sld [smem:$0x3FB5]  }
0x2e: {  	s3 =	simm.s32 @!p0 $0x1082;
	s9 =	sld [smem:$0x3FB6]  }
0x2f: {  	lr =	sadd.s32 s0, s3;
	s0 =	sld [smem:$0x3FAD]  }
0x30: {  	s3 =	sld [smem:$0x3FB0]  }
0x31: {  	[smem:$0x3FB9] =	sst s10  }
0x32: {  	s10 =	sld [smem:$0x3FB7];
	_ =	sdelay $0x3  }
0x33: {  	p0 =	seq.s32 s10, $0x1;
	s10 =	sld [smem:$0x3FB9];
	_ =	sdelay $0x3  }
0x34: {  	[smem:$0x3FB9] =	sst s10  }
0x35: {  	s10 =	sld [smem:$0x3FB8];
	_ =	sdelay $0x3  }
0x36: {  	p1 =	seq.s32 s10, $0x1;
	s10 =	sld [smem:$0x3FB9];
	_ =	sdelay $0x3  }
0x37: {  	[smem:$0x3FB9] =	sst s10  }
0x38: {  	s10 =	sld [smem:$0x3FBA]  }
0x39: {  	_ = 	snop;
	(pc) =	sbr.ind lr, $3  }
0x3a: {  	_ = 	snop  }
0x3b: {  	_ = 	snop  }
0x3c: {  	p2 =	seq.s32 s10, $0x1;
	s10 =	sld [smem:$0x3FB9]  }
0x3d: {  	_ =	shalt  }
0x3e: {  	_ =	shalt  }
0x3f: {  	_ =	shalt  }
0x40: {  	_ =	shalt  }
0x41: {  	_ =	shalt  }
0x42: {  	_ =	shalt  }
0x43: {  	_ =	shalt  }
0x44: {  	_ =	shalt  }
0x45: {  	_ =	shalt  }
0x46: {  	_ =	shalt  }
0x47: {  	_ =	shalt  }
0x48: {  	_ =	shalt  }
0x49: {  	_ =	shalt  }
0x4a: {  	_ =	shalt  }
0x4b: {  	_ =	shalt  }
0x4c: {  	_ =	shalt  }
0x4d: {  	_ =	shalt  }
0x4e: {  	_ =	shalt  }
0x4f: {  	_ =	shalt  }
0x50: {  	_ =	shalt  }
0x51: {  	_ =	shalt  }
0x52: {  	_ =	shalt  }
0x53: {  	_ =	shalt  }
0x54: {  	_ =	shalt  }
0x55: {  	_ =	shalt  }
0x56: {  	_ =	shalt  }
0x57: {  	_ =	shalt  }
0x58: {  	_ =	shalt  }
0x59: {  	_ =	shalt  }
0x5a: {  	_ =	shalt  }
0x5b: {  	_ =	shalt  }
0x5c: {  	_ =	shalt  }
0x5d: {  	_ =	shalt  }
0x5e: {  	_ =	shalt  }
0x5f: {  	_ =	shalt  }
0x60: {  	_ =	shalt  }
0x61: {  	_ =	shalt  }
0x62: {  	_ =	shalt  }
0x63: {  	_ =	shalt  }
0x64: {  	_ =	shalt  }
0x65: {  	_ =	shalt  }
0x66: {  	_ =	shalt  }
0x67: {  	_ =	shalt  }
0x68: {  	_ =	shalt  }
0x69: {  	_ =	shalt  }
0x6a: {  	_ =	shalt  }
0x6b: {  	_ =	shalt  }
0x6c: {  	_ =	shalt  }
0x6d: {  	_ =	shalt  }
0x6e: {  	_ =	shalt  }
0x6f: {  	_ =	shalt  }
0x70: {  	_ =	shalt  }
0x71: {  	_ =	shalt  }
0x72: {  	_ =	shalt  }
0x73: {  	_ =	shalt  }
0x74: {  	_ =	shalt  }
0x75: {  	_ =	shalt  }
0x76: {  	_ =	shalt  }
0x77: {  	_ =	shalt  }
0x78: {  	_ =	shalt  }
0x79: {  	_ =	shalt  }
0x7a: {  	_ =	shalt  }
0x7b: {  	_ =	shalt  }
0x7c: {  	_ =	shalt  }
0x7d: {  	_ =	shalt  }
0x7e: {  	_ =	shalt  }
0x7f: {  	_ =	shalt  }
0x80: {  	_ =	shalt  }
0x81: {  	_ =	shalt  }
0x82: {  	_ =	shalt  }
0x83: {  	_ =	shalt  }
0x84: {  	_ =	shalt  }
0x85: {  	_ =	shalt  }
0x86: {  	_ =	shalt  }
0x87: {  	_ =	shalt  }
.Lfunc_end0:
.L_simem_size_0:
called_computation_lowered:
.L_overlay_start_0:
0x88: {  	s2 =	sld [smem:$0x3FD9]  }
0x89: {  	s3 =	sld [smem:$0x3FFE];
	_ =	sdelay $0x1  }
0x8a: {  	s1 =	srdreg.scid  }
0x8b: {  	s0 =	sand.u32 $0x1, s1  }
0x8c: {  	s17 =	sshll.u32 s0, $0xA;
	s2 =	sadd.s32 s3, s2  }
0x8d: {  	s2 =	sadd.s32 s2, s17  }
0x8e: {  	[smem:$0x3FC5] =	sst s2  }
0x8f: {  	_ = 	snop  }
0x90: {  	s2 =	sld [smem:$0x3FD0];
	(tm) =	ssettm $0x1  }
0x91: {  	s18 =	sld [smem:$0x3FFB];
	_ =	sdelay $0x3  }
0x92: {  	_ =	strace s18  }
0x93: {  	s3 =	sld [smem:$0x3FFC];
	_ =	sdelay $0x3  }
0x94: {  	_ =	strace s3  }
0x95: {  	s3 =	sld [smem:$0x3FFD];
	_ =	sdelay $0x3  }
0x96: {  	_ =	strace s3  }
0x97: {  	_ =	strace $0x8FFFFFFF  }
0x98: {  	s19 =	sld [smem:$0x3FDB];
	_ =	sdelay $0x1  }
0x99: {  	s4 =	simm.s32 $_scs_section_size  }
0x9a: {  	s5 =	simm.s32 $_size__tile_overlayer_lowered;
	s6 =	simm.s32 $_tile_overlayer_lowered  }
0x9b: {  	s22 =	simm.s32 $0x1BFF;
	s21 =	sshll.u32 s6, $0x1;
	s3 =	sadd.s32 s4, s19  }
0x9c: {  	s7 =	simm.s32 $0x0;
	s20 =	sshll.u32 s5, $0x1;
	s5 =	sadd.s32 s21, s3  }
0x9d: {  	[timem:s7], [sflag:s22] =	dma.local [hbm:s5], s20  }
0x9e: {  	_ =	swait.ge [sflag:s22], s20  }
0x9f: {  	s4 =	ssub.s32 $0x0, s20;
	[sflag:s22] =	ssyncset.done $0x0  }
0xa0: {  	[sflag:s22] =	ssyncadd.s32 s4;
	_ =	sdelay $0x1  }
0xa1: {  	s23 =	simm.s32 $0x1B8B  }
0xa2: {  	_ =	swait.ge [sflag:s23], $0x1  }
0xa3: {  	[sflag:s23] =	ssyncset.done $0x0  }
0xa4: {  	s25 =	simm.s32 $0x1B8E;
	s24 =	sld [smem:$0x3FFE];
	[sflag:s23] =	ssyncadd.s32 $0xFFFFFFFF  }
0xa5: {  	s26 =	simm.s32 $execute0_lowered;
	[smem:$0x3FD2] =	sst s25  }
0xa6: {  	s5 =	sshll.u32 s26, $0x1;
	_ =	strace $0x80000046;
	[dreg:$0x1] =	wrdreg $0xFFFFFFFF  }
0xa7: {  	s28 =	simm.s32 $_size_execute0_lowered;
	s3 =	sadd.s32 s3, s5;
	[dreg:$0x0] =	wrdreg $0x0  }
0xa8: {  	s5 =	sshll.u32 s28, $0x1;
	[dreg:$0x2] =	wrdreg s3  }
0xa9: {  	[dreg:$0x3] =	wrdreg s5  }
0xaa: {  	[dreg:$0x4] =	wrdreg $0xC0  }
0xab: {  	_ =	task [dreg:s7], $0x5FFFF  }
0xac: {  	[dreg:$0x1] =	wrdreg $0xFFFFFFFF  }
0xad: {  	[dreg:$0x0] =	wrdreg $0x60  }
0xae: {  	[dreg:$0x2] =	wrdreg s24  }
0xaf: {  	[dreg:$0x3] =	wrdreg s2  }
0xb0: {  	[dreg:$0x4] =	wrdreg $0x9  }
0xb1: {  	_ =	task.clear_ibuf [dreg:s7], $0x5FFFF;
	_ =	strace $0x90000046  }
0xb2: {  	s29 =	simm.s32 $0x9;
	_ =	strace $0x80000048  }
0xb3: {  	_ =	swait.ge [sflag:s29], $0x1  }
0xb4: {  	[sflag:s29] =	ssyncadd.s32 $0xFFFFFFFF  }
0xb5: {  	_ =	strace $0x90000048  }
0xb6: {  	_ =	sfence  }
0xb7: {  	s30 =	sld [smem:$0x0];
	_ =	sdelay $0x2  }
0xb8: {  	s31 =	sshll.u32 s1, $0xD;
	s1 =	sshrl.u32 s1, $0x2  }
0xb9: {  	s3 =	sand.u32 $0x4000, s31;
	s1 =	sadd.s32 s1, s30  }
0xba: {  	s0 =	sor.u32 s3, s0;
	s1 =	sshll.u32 s1, $0x11  }
0xbb: {  	s0 =	sor.u32 s1, s0  }
0xbc: {  	s0 =	sadd.s32 $0x8F2B, s0  }
0xbd: {  	[sflag:s0] =	ssyncadd.remote.s32 $0x1  }
0xbe: {  	_ =	sfence.sel $0xFFFF  }
0xbf: {  	[dreg:$0x0] =	wrdreg $0xFFFFFFFF;
	(pc) =	sbr.abs _section_cstart, $3  }
0xc0: {  	[dreg:$0x1] =	wrdreg $0xFFFFFFFF  }
0xc1: {  	_ =	task.clear_ibuf [dreg:s7], $0x2FFFF;
	_ =	strace $0x9FFFFFFF  }
0xc2: {  	(tm) =	ssettm $0x7FFFFFFF  }
0xc3: {  	_ =	shalt  }
tec
execute0_lowered:
.L_overlay_start_1:
0x0: {  	(tag) =	ssettag $0x1  }
0x1: {  	s1 =	srdreg.scid;
	s4 =	rddreg [dreg:$0x0]  }
0x2: {  	s0 =	stileid.u32;
	s2 =	rddreg [dreg:$0x1]  }
0x3: {  	s3 =	simm.s32 $0x0;
	s5 =	sand.u32 $0x1, s1;
	s30 =	sshll.u32 s0, $0x1  }
0x4: {  	s10 =	simm.s32 $0x0;
	s8 =	smul.u32 $0x280, s0;
	s6 =	sor.u32 s5, s30  }
0x5: {  	s1 =	rddreg [dreg:$0x2];
	s7 =	ssub.s32 $0x2, s5;
	s6 =	smul.u32 $0x1400, s6  }
0x6: {  	[smem:$0x7FF] =	sst s3;
	s9 =	smul.u32 $0x140, s5;
	s31 =	sshrl.u32 s7, $0x1  }
0x7: {  	_ =	strace $0x80000047;
	s7 =	ssub.s32 s7, s31;
	s6 =	sadd.s32 s6, s4  }
0x8: {  	s4 =	sadd.s32 $0xC00, s6;
	s5 =	sadd.s32 $0x28C00, s6;
	s6 =	smax.u32 s7, $0x1  }
0x9: {  	v0 =	vimm.f32 $0.0e+00;
	s7 =	sadd.s32 s9, s8;
	s8 =	simm.s32 $0x1;
	s9 =	simm.s32 $0xA000  }
.LBB2_1:
0xa: {  	[tilespmem:s3], [sflag:$0x1] =	stream.linear.gather [hbm4b:s4+s3], $0xA000, $0x38;
	[tilespmem:$0x16780] =	vst v63  }
0xb: {  	_ =	swait.ge [sflag:s8], $0xA000  }
0xc: {  	[sflag:s8] =	ssyncset.done $0x0  }
0xd: {  	[sflag:s8] =	ssyncadd.s32 $0xFFFF6000  }
0xe: {  	[tilespmem:s9], [sflag:$0x1] =	stream.linear.gather [hbm4b:s5+s3], $0xA000, $0x38;
	[tilespmem:$0x16780] =	vst v63  }
0xf: {  	_ =	swait.ge [sflag:s8], $0xA000  }
0x10: {  	[sflag:s8] =	ssyncset.done $0x0  }
0x11: {  	s11 =	simm.s32 $0x0;
	[sflag:s8] =	ssyncadd.s32 $0xFFFF6000  }
.LBB2_2:
0x12: {  	p0 =	sne.s32 s11, $0x9C00  }
.Ltmp0:
0x13: {  	_ = 	snop;
	(pc) =	sbr.rel @p0 .LBB2_2-.Ltmp0, $3  }
0x14: {  	_ =	sdelay $0x1  }
0x15: {  	s12 =	sshra.s32 s11, $0x2  }
0x16: {  	s11 =	sadd.s32 $0x40, s11;
	[tilespmem:s12+$0x14000] =	vst v0  }
0x17: {  	s11 =	simm.s32 $0x0  }
0x18: {  	s12 =	simm.s32 $0xA010;
	s13 =	simm.s32 $0x10;
	s14 =	smov.u32 s7  }
.LBB2_4:
0x19: {  	p0 =	sgt.u32 s14, $0x270F  }
0x1a: {  	v1 =	vld @!p0 [tilespmem:s12+$0xFFFFFFF0];
	_ =	sdelay $0x2  }
0x1b: {  	v2 =	vld @!p0 [tilespmem:s13+$0xFFFFFFF0];
	_ =	sdelay $0x3  }
0x1c: {  	s15 =	simm.s32 @!p0 $0x14000  }
0x1d: {  	[tilespmem:v1+s15+$0x0] =	vst.idx.msk @!p0 $0xffff, v2  }
0x1e: {  	v1 =	vld @!p0 [tilespmem:s12+$0x0];
	_ =	sdelay $0x2  }
0x1f: {  	s16 =	sshrl.u32 @!p0 s14, $0x3;
	v2 =	vld @!p0 [tilespmem:s13+$0x0]  }
0x20: {  	s16 =	smul.u32 @!p0 $0x13C00, s16  }
0x21: {  	s17 =	sand.u32 @!p0 $0x380, s11  }
0x22: {  	s16 =	sor.u32 @!p0 s17, s16  }
0x23: {  	s16 =	sshrl.u32 @!p0 s16, $0x3  }
0x24: {  	s18 =	simm.s32 @!p0 $0x400;
	s17 =	simm.s32 @!p0 $0x80;
	s16 =	sadd.s32 @!p0 s2, s16;
	[tilespmem:v1+s15+$0x0] =	vst.idx.msk @!p0 $0xffff, v2  }
0x25: {  	[hbm4b:s16+s17] =	stream.strided.scatter @!p0 [tilespmem:s15], [sflag:$0x1], $0x2780, s18, s17, $0x38;
	[tilespmem:$0x16780] =	vst v63  }
0x26: {  	s16 =	simm.s32 @!p0 $0x1  }
0x27: {  	_ =	swait.ge @!p0 [sflag:s16], $0x2780  }
0x28: {  	[sflag:s16] =	ssyncset.done @!p0 $0x0  }
0x29: {  	[sflag:s16] =	ssyncadd.s32 @!p0 $0xFFFFD880  }
0x2a: {  	v1 =	vld @!p0 [tilespmem:s12+$0xFFFFFFF0];
	_ =	sdelay $0x6  }
0x2b: {  	v2 =	vimm.f32 @!p0 $0.0e+00  }
0x2c: {  	[tilespmem:v1+s15+$0x0] =	vst.idx.msk @!p0 $0xffff, v2  }
0x2d: {  	v1 =	vld @!p0 [tilespmem:s12+$0x0];
	_ =	sdelay $0x1  }
0x2e: {  	s11 =	sadd.s32 $0x80, s11  }
0x2f: {  	p1 =	sne.s32 s11, $0xA000  }
.Ltmp1:
0x30: {  	_ = 	snop;
	(pc) =	sbr.rel @p1 .LBB2_4-.Ltmp1, $2  }
0x31: {  	_ =	sdelay $0x2  }
0x32: {  	s14 =	sadd.s32 $0x1, s14;
	s13 =	sadd.s32 $0x80, s13;
	s12 =	sadd.s32 $0x80, s12;
	[tilespmem:v1+s15+$0x0] =	vst.idx.msk @!p0 $0xffff, v2  }
0x33: {  	s10 =	sadd.s32 $0x1, s10  }
0x34: {  	p0 =	sne.s32 s10, s6  }
.Ltmp2:
0x35: {  	_ = 	snop;
	(pc) =	sbr.rel @p0 .LBB2_1-.Ltmp2, $1  }
0x36: {  	_ =	sdelay $0x3  }
0x37: {  	_ =	sfence.sel $0x180000  }
0x38: {  	[bflag:$0x0] =	sbarrier.arrive $0xFFFF  }
0x39: {  	p0 =	sne.s32 s0, $0x0;
	_ =	strace $0x90000047  }
0x3a: {  	s0 =	sadd.s32 @!p0 $0x100000, s1;
	[bflag:$0x2] =	sbarrier.arrive $0xFFFF  }
0x3b: {  	[sflag:s0] =	ssyncadd.tile.s32 @!p0 $0x1;
	_ =	shalt  }
.Lfunc_end2:
_tile_overlayer_lowered:
.L_overlay_start_2:
0x3c: {  	(tag) =	ssettag $0x2  }
0x3d: {  	s0 =	rddreg [dreg:$0x0];
	s2 =	stileid.u32  }
0x3e: {  	s1 =	rddreg [dreg:$0x1];
	p0 =	sne.s32 s2, $0x0  }
0x3f: {  	s3 =	rddreg [dreg:$0x2];
	[bflag:$0x3] =	sbarrier.arrive $0xFFFF;
	s2 =	simm.s32 @!p0 $0x1C01  }
0x40: {  	[timem:s3], [sflag:s2] =	dma.local @!p0 [hbm:s0], s1  }
0x41: {  	s0 =	simm.s32 @!p0 $0x1  }
0x42: {  	_ =	swait.ge @!p0 [sflag:s0], s1  }
0x43: {  	s1 =	ssub.s32 @!p0 $0x0, s1;
	[sflag:s0] =	ssyncset.done @!p0 $0x0  }
0x44: {  	[sflag:s0] =	ssyncadd.s32 @!p0 s1  }
0x45: {  	[bflag:$0x3] =	sbarrier.arrive $0xFFFF  }
0x46: {  	_ =	shalt  }

</sc_bundles>
